<compile_context>
chip_gen: v7x
topology: tpu7x:2x2x1
jax: 0.10.2.dev20260603
libtpu: 0.0.44.dev20260713+nightly
codegen_flags: <defaults>
</compile_context>

<pallas_src>
import functools

import jax
import jax.numpy as jnp
from jax import lax
from jax.experimental import pallas as pl
from jax.experimental.pallas import tpu as pltpu
from jax.experimental.pallas import tpu_sc as plsc

N_NODES = 10000
N_EDGES = 320000
D = 128

NC = 2
NS = 16
NW = NC * NS
CH = 128
KPW = 80
TOTCH = NW * KPW
K0 = 132
K1 = 28
E_PAD = TOTCH * CH
NP = 10240
RPT = NP // NS
BM = 512
GRID_M = NP // BM

_mesh = plsc.VectorSubcoreMesh(core_axis_name="c", subcore_axis_name="s")


@functools.partial(
    pl.kernel,
    out_type=[jax.ShapeDtypeStruct((NC, NP, D), jnp.float32)],
    mesh=_mesh,
    scratch_types=[
        pltpu.VMEM((2, CH), jnp.int32),
        pltpu.VMEM((2, CH), jnp.int32),
        pltpu.VMEM((CH, D), jnp.float32),
        pltpu.VMEM((CH, D), jnp.float32),
        pltpu.VMEM_SHARED((NP, D), jnp.float32),
        pltpu.SemaphoreType.DMA,
        pltpu.SemaphoreType.DMA,
        pltpu.SemaphoreType.DMA,
        pltpu.SemaphoreType.DMA,
    ],
)
def _sc_agg(y_hbm, idx_hbm, zeros_hbm, agg_out,
            idxA, idxB, rowsA, rowsB, agg_sh, gsA, gsB, ssA, ssB):
    c = lax.axis_index("c")
    s = lax.axis_index("s")
    rp = s * RPT
    off = lax.select(c == 0, s * K0, 16 * K0 + s * K1)
    npairs = lax.select(c == 0, K0 // 2, K1 // 2)
    pltpu.sync_copy(zeros_hbm.at[pl.ds(rp, RPT)], agg_sh.at[pl.ds(rp, RPT)])
    plsc.subcore_barrier()

    def pair(p, carry):
        @pl.when(p > 0)
        def _():
            pltpu.make_async_copy(rowsA, agg_sh.at[idxA.at[1]], ssA).wait()
            pltpu.make_async_copy(rowsB, agg_sh.at[idxB.at[1]], ssB).wait()
        t = off + 2 * p
        pltpu.sync_copy(idx_hbm.at[t], idxA)
        gA = pltpu.async_copy(y_hbm.at[idxA.at[0]], rowsA, gsA)
        pltpu.sync_copy(idx_hbm.at[t + 1], idxB)
        gB = pltpu.async_copy(y_hbm.at[idxB.at[0]], rowsB, gsB)
        gA.wait()
        pltpu.async_copy(rowsA, agg_sh.at[idxA.at[1]], ssA, add=True)
        gB.wait()
        pltpu.async_copy(rowsB, agg_sh.at[idxB.at[1]], ssB, add=True)
        return carry

    lax.fori_loop(0, npairs, pair, 0)
    pltpu.make_async_copy(rowsA, agg_sh.at[idxA.at[1]], ssA).wait()
    pltpu.make_async_copy(rowsB, agg_sh.at[idxB.at[1]], ssB).wait()
    plsc.subcore_barrier()
    pltpu.sync_copy(agg_sh.at[pl.ds(rp, RPT)], agg_out.at[c, pl.ds(rp, RPT)])


@functools.partial(
    pl.kernel,
    out_type=[jax.ShapeDtypeStruct((NC, NP, D), jnp.float32)],
    mesh=_mesh,
    scratch_types=[
        pltpu.VMEM((2, CH), jnp.int32),
        pltpu.VMEM((2, CH), jnp.int32),
        pltpu.VMEM((CH, D), jnp.float32),
        pltpu.VMEM_SHARED((NP, D), jnp.float32),
        pltpu.SemaphoreType.DMA,
        pltpu.SemaphoreType.DMA,
    ],
)
def _sc_cnt(idx_hbm, zeros_hbm, ones_hbm, cnt_out,
            idxA, idxB, ones_v, cnt_sh, ssA, ssB):
    c = lax.axis_index("c")
    s = lax.axis_index("s")
    wid = c * NS + s
    rp = s * RPT
    off = wid * KPW
    pltpu.sync_copy(zeros_hbm.at[pl.ds(rp, RPT)], cnt_sh.at[pl.ds(rp, RPT)])
    pltpu.sync_copy(ones_hbm, ones_v)
    plsc.subcore_barrier()

    def pair(p, carry):
        @pl.when(p > 0)
        def _():
            pltpu.make_async_copy(ones_v, cnt_sh.at[idxA.at[1]], ssA).wait()
            pltpu.make_async_copy(ones_v, cnt_sh.at[idxB.at[1]], ssB).wait()
        t = off + 2 * p
        pltpu.sync_copy(idx_hbm.at[t], idxA)
        pltpu.async_copy(ones_v, cnt_sh.at[idxA.at[1]], ssA, add=True)
        pltpu.sync_copy(idx_hbm.at[t + 1], idxB)
        pltpu.async_copy(ones_v, cnt_sh.at[idxB.at[1]], ssB, add=True)
        return carry

    lax.fori_loop(0, KPW // 2, pair, 0)
    pltpu.make_async_copy(ones_v, cnt_sh.at[idxA.at[1]], ssA).wait()
    pltpu.make_async_copy(ones_v, cnt_sh.at[idxB.at[1]], ssB).wait()
    plsc.subcore_barrier()
    pltpu.sync_copy(cnt_sh.at[pl.ds(rp, RPT)], cnt_out.at[c, pl.ds(rp, RPT)])


def _tc1_body(x_ref, wl_ref, wr_ref, y_ref, z_ref):
    xb = x_ref[...]
    y_ref[...] = jnp.dot(xb, wl_ref[...], preferred_element_type=jnp.float32)
    z_ref[...] = jnp.dot(xb, wr_ref[...], preferred_element_type=jnp.float32)


def _tc2_body(a_ref, c_ref, z_ref, b_ref, wl_ref, wr_ref, y2_ref, z2_ref):
    denom = jnp.maximum(c_ref[0] + c_ref[1], 1.0)
    h = (a_ref[0] + a_ref[1]) / denom + b_ref[...] + z_ref[...]
    h = jnp.maximum(h, 0.0)
    y2_ref[...] = jnp.dot(h, wl_ref[...], preferred_element_type=jnp.float32)
    z2_ref[...] = jnp.dot(h, wr_ref[...], preferred_element_type=jnp.float32)


def _tc3_body(a_ref, c_ref, z_ref, b_ref, out_ref):
    denom = jnp.maximum(c_ref[0] + c_ref[1], 1.0)
    out_ref[...] = (a_ref[0] + a_ref[1]) / denom + b_ref[...] + z_ref[...]


_row_spec = pl.BlockSpec((BM, D), lambda i: (i, 0))
_par_spec = pl.BlockSpec((NC, BM, D), lambda i: (0, i, 0))
_w_spec = pl.BlockSpec((D, D), lambda i: (0, 0))
_b_spec = pl.BlockSpec((1, D), lambda i: (0, 0))

_tc1 = pl.pallas_call(
    _tc1_body,
    grid=(GRID_M,),
    in_specs=[_row_spec, _w_spec, _w_spec],
    out_specs=[_row_spec, _row_spec],
    out_shape=[jax.ShapeDtypeStruct((NP, D), jnp.float32)] * 2,
)

_tc2 = pl.pallas_call(
    _tc2_body,
    grid=(GRID_M,),
    in_specs=[_par_spec, _par_spec, _row_spec, _b_spec, _w_spec, _w_spec],
    out_specs=[_row_spec, _row_spec],
    out_shape=[jax.ShapeDtypeStruct((NP, D), jnp.float32)] * 2,
)

_tc3 = pl.pallas_call(
    _tc3_body,
    grid=(GRID_M,),
    in_specs=[_par_spec, _par_spec, _row_spec, _b_spec],
    out_specs=_row_spec,
    out_shape=jax.ShapeDtypeStruct((NP, D), jnp.float32),
)


@jax.jit
def kernel(x, edge_index, W1_l, W1_r, b1, W2_l, W2_r, b2):
    src = edge_index[0].astype(jnp.int32)
    dst = edge_index[1].astype(jnp.int32)
    pad = E_PAD - N_EDGES
    srcp = jnp.concatenate([src, jnp.zeros((pad,), jnp.int32)]).reshape(
        TOTCH, CH)
    dstp = jnp.concatenate([dst, jnp.full((pad,), N_NODES, jnp.int32)]
                           ).reshape(TOTCH, CH)
    idx2 = jnp.stack([srcp, dstp], axis=1)
    xp = jnp.pad(x, ((0, NP - N_NODES), (0, 0)))
    zeros = jnp.zeros((NP, D), jnp.float32)
    ones = jnp.ones((CH, D), jnp.float32)
    b1r = b1.reshape(1, D)
    b2r = b2.reshape(1, D)

    (cntp,) = _sc_cnt(idx2, zeros, ones)
    y1, z1 = _tc1(xp, W1_l, W1_r)
    (aggp1,) = _sc_agg(y1, idx2, zeros)
    y2, z2 = _tc2(aggp1, cntp, z1, b1r, W2_l, W2_r)
    (aggp2,) = _sc_agg(y2, idx2, zeros)
    out = _tc3(aggp2, cntp, z2, b2r)
    return out[:N_NODES]

# --- scband reference (transcript-rebuilt; emitter-appended) ---
"""Pipeline reference for scband-graph-sage-24610162606526 (READ-ONLY COPY).

The authoritative reference and input builder live on the scoring server;
editing this copy changes nothing except your own understanding.
"""

import jax, jax.numpy as jnp
import numpy as np

N_NODES = 10000
N_EDGES = 320000
D_IN = 128
D_OUT = 128


def setup_inputs(seed: int = 0) -> dict:
    key = jax.random.key(seed)
    ks = jax.random.split(key, 9)
    x = jax.random.normal(ks[0], (N_NODES, D_IN), dtype=jnp.float32)
    edge_index = jax.random.randint(ks[1], (2, N_EDGES), 0, N_NODES, dtype=jnp.int64)
    s1 = 1.0 / np.sqrt(D_IN)
    s2 = 1.0 / np.sqrt(D_OUT)
    W1_l = jax.random.uniform(ks[2], (D_IN, D_OUT), dtype=jnp.float32, minval=-s1, maxval=s1)
    W1_r = jax.random.uniform(ks[3], (D_IN, D_OUT), dtype=jnp.float32, minval=-s1, maxval=s1)
    b1 = jax.random.uniform(ks[4], (D_OUT,), dtype=jnp.float32, minval=-s1, maxval=s1)
    W2_l = jax.random.uniform(ks[5], (D_OUT, D_OUT), dtype=jnp.float32, minval=-s2, maxval=s2)
    W2_r = jax.random.uniform(ks[6], (D_OUT, D_OUT), dtype=jnp.float32, minval=-s2, maxval=s2)
    b2 = jax.random.uniform(ks[7], (D_OUT,), dtype=jnp.float32, minval=-s2, maxval=s2)
    return {"x": x, "edge_index": edge_index, "W1_l": W1_l, "W1_r": W1_r, "b1": b1, "W2_l": W2_l, "W2_r": W2_r, "b2": b2}


def _sage_conv(x, src, dst, W_l, W_r, b, num_nodes):
    # PyG SAGEConv with mean aggregation:
    # out = lin_l(mean_{j in N(i)} x_j) + lin_r(x_i)
    msgs = jnp.take(x, src, axis=0)  # gather source features [E, d]
    agg = jax.ops.segment_sum(msgs, dst, num_segments=num_nodes)
    cnt = jax.ops.segment_sum(jnp.ones((src.shape[0],), dtype=x.dtype), dst, num_segments=num_nodes)
    mean = agg / jnp.maximum(cnt, 1.0)[:, None]
    return mean @ W_l + b + x @ W_r


def reference(x, edge_index, W1_l, W1_r, b1, W2_l, W2_r, b2):
    src = edge_index[0]
    dst = edge_index[1]
    n = x.shape[0]
    h = _sage_conv(x, src, dst, W1_l, W1_r, b1, n)
    h = jax.nn.relu(h)
    out = _sage_conv(h, src, dst, W2_l, W2_r, b2, n)
    return out

if __name__ == "__main__":
    import jax
    _d = setup_inputs()
    print(jax.jit(kernel)(*tuple(_d.values())))

</pallas_src>

<mosaic_0001>
#map = affine_map<(d0, d1) -> (0, 0, 0)>
#map1 = affine_map<(d0, d1) -> (0, 0)>
module attributes {stable_mosaic.version = 14 : i64} {
  func.func @_sc_cnt(%arg0: i32, %arg1: i32, %arg2: memref<2560x2x128xi32, #tpu.memory_space<hbm>>, %arg3: memref<10240x128xf32, #tpu.memory_space<hbm>>, %arg4: memref<128x128xf32, #tpu.memory_space<hbm>>, %arg5: memref<2x10240x128xf32, #tpu.memory_space<hbm>>, %arg6: memref<2x128xi32, #tpu.memory_space<vmem>>, %arg7: memref<2x128xi32, #tpu.memory_space<vmem>>, %arg8: memref<128x128xf32, #tpu.memory_space<vmem>>, %arg9: memref<10240x128xf32, #tpu.memory_space<vmem_shared>>, %arg10: memref<!tpu.dma_semaphore, #tpu.memory_space<semaphore_mem>>, %arg11: memref<!tpu.dma_semaphore, #tpu.memory_space<semaphore_mem>>) attributes {dimension_semantics = [#tpu.dimension_semantics<core_parallel>, #tpu.dimension_semantics<subcore_parallel>], iteration_bounds = array<i64: 2, 16>, scalar_prefetch = 0 : i64, scratch_operands = 6 : i64, tpu.core_type = #tpu.core_type<sc_vector_subcore>, window_params = [{transform_indices = #map}, {transform_indices = #map1}, {transform_indices = #map1}, {transform_indices = #map}]} {
    %mul3A = arith.constant 16 : i32
    %mul3A_0 = arith.muli %arg0, %mul3A : i32
    %add3A = arith.addi %mul3A_0, %arg1 : i32
    %mul3A_1 = arith.constant 640 : i32
    %mul3A_2 = arith.muli %arg1, %mul3A_1 : i32
    %mul3A_3 = arith.constant 80 : i32
    %mul3A_4 = arith.muli %add3A, %mul3A_3 : i32
    "tpu.region"() ({
      %run_scoped3A = tpu.sem_alloc : memref<!tpu.dma_semaphore, #tpu.memory_space<semaphore_mem>>
      %dma_start3A = arith.constant 0 : i32
      %dma_start3A_24 = tpu.memref_slice %arg9[%mul3A_2, %dma_start3A] : memref<10240x128xf32, #tpu.memory_space<vmem_shared>> -> memref<640x128xf32, #tpu.memory_space<vmem_shared>>
      %dma_start3A_25 = arith.constant 0 : i32
      %dma_start3A_26 = tpu.memref_slice %arg3[%mul3A_2, %dma_start3A_25] : memref<10240x128xf32, #tpu.memory_space<hbm>> -> memref<640x128xf32, #tpu.memory_space<hbm>>
      tpu.enqueue_dma source(%dma_start3A_26 : memref<640x128xf32, #tpu.memory_space<hbm>>) target(%dma_start3A_24 : memref<640x128xf32, #tpu.memory_space<vmem_shared>>) target_semaphore(%run_scoped3A : memref<!tpu.dma_semaphore, #tpu.memory_space<semaphore_mem>>)
      %dma_wait3A_27 = arith.constant 0 : i32
      %dma_wait3A_28 = tpu.memref_slice %arg9[%mul3A_2, %dma_wait3A_27] : memref<10240x128xf32, #tpu.memory_space<vmem_shared>> -> memref<640x128xf32, #tpu.memory_space<vmem_shared>>
      %dma_wait3A_29 = arith.constant 0 : i32
      %dma_wait3A_30 = tpu.memref_slice %arg3[%mul3A_2, %dma_wait3A_29] : memref<10240x128xf32, #tpu.memory_space<hbm>> -> memref<640x128xf32, #tpu.memory_space<hbm>>
      tpu.wait_dma2 semaphore(%run_scoped3A : memref<!tpu.dma_semaphore, #tpu.memory_space<semaphore_mem>>) src(%dma_wait3A_30 : memref<640x128xf32, #tpu.memory_space<hbm>>) dst(%dma_wait3A_28 : memref<640x128xf32, #tpu.memory_space<vmem_shared>>)
      tpu.yield
    }) : () -> ()
    "tpu.region"() ({
      %run_scoped3A = tpu.sem_alloc : memref<!tpu.dma_semaphore, #tpu.memory_space<semaphore_mem>>
      tpu.enqueue_dma source(%arg4 : memref<128x128xf32, #tpu.memory_space<hbm>>) target(%arg8 : memref<128x128xf32, #tpu.memory_space<vmem>>) target_semaphore(%run_scoped3A : memref<!tpu.dma_semaphore, #tpu.memory_space<semaphore_mem>>)
      tpu.wait_dma2 semaphore(%run_scoped3A : memref<!tpu.dma_semaphore, #tpu.memory_space<semaphore_mem>>) src(%arg4 : memref<128x128xf32, #tpu.memory_space<hbm>>) dst(%arg8 : memref<128x128xf32, #tpu.memory_space<vmem>>)
      tpu.yield
    }) : () -> ()
    %barrier3A = arith.constant 0 : index
    tpu.barrier barrier_id(%barrier3A)
    %scan3A = arith.constant 0 : i32
    %scan3A_5 = arith.constant 0 : i32
    %scan3A_6 = arith.constant 40 : i32
    %scan3A_7 = arith.addi %scan3A_5, %scan3A_6 : i32
    %scan3A_8 = arith.constant 1 : i32
    scf.for %scan3A_24 = %scan3A_5 to %scan3A_7 step %scan3A_8  : i32 {
      %gt3A = arith.constant 0 : i32
      %gt3A_25 = arith.cmpi sgt, %scan3A_24, %gt3A : i32
      %convert_element_type3A = arith.extui %gt3A_25 : i1 to i32
      %cond3A = arith.constant 0 : i32
      %cond3A_26 = arith.cmpi ne, %convert_element_type3A, %cond3A : i32
      scf.if %cond3A_26 {
        %dma_wait3A_45 = arith.constant 1 : i32
        %dma_wait3A_46 = arith.constant 0 : i32
        %dma_wait3A_47 = tpu.memref_slice %arg6[%dma_wait3A_45, %dma_wait3A_46] : memref<2x128xi32, #tpu.memory_space<vmem>> -> memref<1x128xi32, #tpu.memory_space<vmem>>
        %dma_wait3A_48 = tpu.memref_squeeze %dma_wait3A_47 : memref<1x128xi32, #tpu.memory_space<vmem>> -> memref<128xi32, #tpu.memory_space<vmem>>
        %dma_wait3A_49 = arith.constant 0 : i32
        %dma_wait3A_50 = arith.constant 0 : i32
        %dma_wait3A_51 = tpu.memref_slice %arg9[%dma_wait3A_49, %dma_wait3A_50] : memref<10240x128xf32, #tpu.memory_space<vmem_shared>> -> memref<10240x128xf32, #tpu.memory_space<vmem_shared>>
        tpu.wait_indirect_dma semaphore(%arg10 : memref<!tpu.dma_semaphore, #tpu.memory_space<semaphore_mem>>) src(%arg8 : memref<128x128xf32, #tpu.memory_space<vmem>>) dst(%dma_wait3A_51 : memref<10240x128xf32, #tpu.memory_space<vmem_shared>>)
        %dma_wait3A_52 = arith.constant 1 : i32
        %dma_wait3A_53 = arith.constant 0 : i32
        %dma_wait3A_54 = tpu.memref_slice %arg7[%dma_wait3A_52, %dma_wait3A_53] : memref<2x128xi32, #tpu.memory_space<vmem>> -> memref<1x128xi32, #tpu.memory_space<vmem>>
        %dma_wait3A_55 = tpu.memref_squeeze %dma_wait3A_54 : memref<1x128xi32, #tpu.memory_space<vmem>> -> memref<128xi32, #tpu.memory_space<vmem>>
        %dma_wait3A_56 = arith.constant 0 : i32
        %dma_wait3A_57 = arith.constant 0 : i32
        %dma_wait3A_58 = tpu.memref_slice %arg9[%dma_wait3A_56, %dma_wait3A_57] : memref<10240x128xf32, #tpu.memory_space<vmem_shared>> -> memref<10240x128xf32, #tpu.memory_space<vmem_shared>>
        tpu.wait_indirect_dma semaphore(%arg11 : memref<!tpu.dma_semaphore, #tpu.memory_space<semaphore_mem>>) src(%arg8 : memref<128x128xf32, #tpu.memory_space<vmem>>) dst(%dma_wait3A_58 : memref<10240x128xf32, #tpu.memory_space<vmem_shared>>)
      } else {
      }
      %mul3A_27 = arith.constant 2 : i32
      %mul3A_28 = arith.muli %mul3A_27, %scan3A_24 : i32
      %add3A_29 = arith.addi %mul3A_4, %mul3A_28 : i32
      "tpu.region"() ({
        %run_scoped3A = tpu.sem_alloc : memref<!tpu.dma_semaphore, #tpu.memory_space<semaphore_mem>>
        %dma_start3A_45 = arith.constant 0 : i32
        %dma_start3A_46 = arith.constant 0 : i32
        %dma_start3A_47 = tpu.memref_slice %arg2[%add3A_29, %dma_start3A_45, %dma_start3A_46] : memref<2560x2x128xi32, #tpu.memory_space<hbm>> -> memref<1x2x128xi32, #tpu.memory_space<hbm>>
        %dma_start3A_48 = tpu.memref_squeeze %dma_start3A_47 : memref<1x2x128xi32, #tpu.memory_space<hbm>> -> memref<2x128xi32, #tpu.memory_space<hbm>>
        %dma_start3A_49 = arith.constant 0 : i32
        %dma_start3A_50 = arith.constant 0 : i32
        %dma_start3A_51 = tpu.memref_slice %arg2[%add3A_29, %dma_start3A_49, %dma_start3A_50] : memref<2560x2x128xi32, #tpu.memory_space<hbm>> -> memref<1x2x128xi32, #tpu.memory_space<hbm>>
        %dma_start3A_52 = tpu.memref_squeeze %dma_start3A_51 : memref<1x2x128xi32, #tpu.memory_space<hbm>> -> memref<2x128xi32, #tpu.memory_space<hbm>>
        tpu.enqueue_dma source(%dma_start3A_52 : memref<2x128xi32, #tpu.memory_space<hbm>>) target(%arg6 : memref<2x128xi32, #tpu.memory_space<vmem>>) target_semaphore(%run_scoped3A : memref<!tpu.dma_semaphore, #tpu.memory_space<semaphore_mem>>)
        %dma_wait3A_53 = arith.constant 0 : i32
        %dma_wait3A_54 = arith.constant 0 : i32
        %dma_wait3A_55 = tpu.memref_slice %arg2[%add3A_29, %dma_wait3A_53, %dma_wait3A_54] : memref<2560x2x128xi32, #tpu.memory_space<hbm>> -> memref<1x2x128xi32, #tpu.memory_space<hbm>>
        %dma_wait3A_56 = tpu.memref_squeeze %dma_wait3A_55 : memref<1x2x128xi32, #tpu.memory_space<hbm>> -> memref<2x128xi32, #tpu.memory_space<hbm>>
        %dma_wait3A_57 = arith.constant 0 : i32
        %dma_wait3A_58 = arith.constant 0 : i32
        %dma_wait3A_59 = tpu.memref_slice %arg2[%add3A_29, %dma_wait3A_57, %dma_wait3A_58] : memref<2560x2x128xi32, #tpu.memory_space<hbm>> -> memref<1x2x128xi32, #tpu.memory_space<hbm>>
        %dma_wait3A_60 = tpu.memref_squeeze %dma_wait3A_59 : memref<1x2x128xi32, #tpu.memory_space<hbm>> -> memref<2x128xi32, #tpu.memory_space<hbm>>
        tpu.wait_dma2 semaphore(%run_scoped3A : memref<!tpu.dma_semaphore, #tpu.memory_space<semaphore_mem>>) src(%dma_wait3A_60 : memref<2x128xi32, #tpu.memory_space<hbm>>) dst(%arg6 : memref<2x128xi32, #tpu.memory_space<vmem>>)
        tpu.yield
      }) : () -> ()
      %dma_start3A = arith.constant 1 : i32
      %dma_start3A_30 = arith.constant 0 : i32
      %dma_start3A_31 = tpu.memref_slice %arg6[%dma_start3A, %dma_start3A_30] : memref<2x128xi32, #tpu.memory_space<vmem>> -> memref<1x128xi32, #tpu.memory_space<vmem>>
      %dma_start3A_32 = tpu.memref_squeeze %dma_start3A_31 : memref<1x128xi32, #tpu.memory_space<vmem>> -> memref<128xi32, #tpu.memory_space<vmem>>
      %dma_start3A_33 = arith.constant 0 : i32
      %dma_start3A_34 = arith.constant 0 : i32
      %dma_start3A_35 = tpu.memref_slice %arg9[%dma_start3A_33, %dma_start3A_34] : memref<10240x128xf32, #tpu.memory_space<vmem_shared>> -> memref<10240x128xf32, #tpu.memory_space<vmem_shared>>
      tpu.enqueue_indirect_dma source(%arg8 : memref<128x128xf32, #tpu.memory_space<vmem>>) target(%dma_start3A_35 : memref<10240x128xf32, #tpu.memory_space<vmem_shared>>) offsets(%dma_start3A_32 : memref<128xi32, #tpu.memory_space<vmem>>) semaphore(%arg10 : memref<!tpu.dma_semaphore, #tpu.memory_space<semaphore_mem>>) {add = true}
      %add3A_36 = arith.constant 1 : i32
      %add3A_37 = arith.addi %add3A_29, %add3A_36 : i32
      "tpu.region"() ({
        %run_scoped3A = tpu.sem_alloc : memref<!tpu.dma_semaphore, #tpu.memory_space<semaphore_mem>>
        %dma_start3A_45 = arith.constant 0 : i32
        %dma_start3A_46 = arith.constant 0 : i32
        %dma_start3A_47 = tpu.memref_slice %arg2[%add3A_37, %dma_start3A_45, %dma_start3A_46] : memref<2560x2x128xi32, #tpu.memory_space<hbm>> -> memref<1x2x128xi32, #tpu.memory_space<hbm>>
        %dma_start3A_48 = tpu.memref_squeeze %dma_start3A_47 : memref<1x2x128xi32, #tpu.memory_space<hbm>> -> memref<2x128xi32, #tpu.memory_space<hbm>>
        %dma_start3A_49 = arith.constant 0 : i32
        %dma_start3A_50 = arith.constant 0 : i32
        %dma_start3A_51 = tpu.memref_slice %arg2[%add3A_37, %dma_start3A_49, %dma_start3A_50] : memref<2560x2x128xi32, #tpu.memory_space<hbm>> -> memref<1x2x128xi32, #tpu.memory_space<hbm>>
        %dma_start3A_52 = tpu.memref_squeeze %dma_start3A_51 : memref<1x2x128xi32, #tpu.memory_space<hbm>> -> memref<2x128xi32, #tpu.memory_space<hbm>>
        tpu.enqueue_dma source(%dma_start3A_52 : memref<2x128xi32, #tpu.memory_space<hbm>>) target(%arg7 : memref<2x128xi32, #tpu.memory_space<vmem>>) target_semaphore(%run_scoped3A : memref<!tpu.dma_semaphore, #tpu.memory_space<semaphore_mem>>)
        %dma_wait3A_53 = arith.constant 0 : i32
        %dma_wait3A_54 = arith.constant 0 : i32
        %dma_wait3A_55 = tpu.memref_slice %arg2[%add3A_37, %dma_wait3A_53, %dma_wait3A_54] : memref<2560x2x128xi32, #tpu.memory_space<hbm>> -> memref<1x2x128xi32, #tpu.memory_space<hbm>>
        %dma_wait3A_56 = tpu.memref_squeeze %dma_wait3A_55 : memref<1x2x128xi32, #tpu.memory_space<hbm>> -> memref<2x128xi32, #tpu.memory_space<hbm>>
        %dma_wait3A_57 = arith.constant 0 : i32
        %dma_wait3A_58 = arith.constant 0 : i32
        %dma_wait3A_59 = tpu.memref_slice %arg2[%add3A_37, %dma_wait3A_57, %dma_wait3A_58] : memref<2560x2x128xi32, #tpu.memory_space<hbm>> -> memref<1x2x128xi32, #tpu.memory_space<hbm>>
        %dma_wait3A_60 = tpu.memref_squeeze %dma_wait3A_59 : memref<1x2x128xi32, #tpu.memory_space<hbm>> -> memref<2x128xi32, #tpu.memory_space<hbm>>
        tpu.wait_dma2 semaphore(%run_scoped3A : memref<!tpu.dma_semaphore, #tpu.memory_space<semaphore_mem>>) src(%dma_wait3A_60 : memref<2x128xi32, #tpu.memory_space<hbm>>) dst(%arg7 : memref<2x128xi32, #tpu.memory_space<vmem>>)
        tpu.yield
      }) : () -> ()
      %dma_start3A_38 = arith.constant 1 : i32
      %dma_start3A_39 = arith.constant 0 : i32
      %dma_start3A_40 = tpu.memref_slice %arg7[%dma_start3A_38, %dma_start3A_39] : memref<2x128xi32, #tpu.memory_space<vmem>> -> memref<1x128xi32, #tpu.memory_space<vmem>>
      %dma_start3A_41 = tpu.memref_squeeze %dma_start3A_40 : memref<1x128xi32, #tpu.memory_space<vmem>> -> memref<128xi32, #tpu.memory_space<vmem>>
      %dma_start3A_42 = arith.constant 0 : i32
      %dma_start3A_43 = arith.constant 0 : i32
      %dma_start3A_44 = tpu.memref_slice %arg9[%dma_start3A_42, %dma_start3A_43] : memref<10240x128xf32, #tpu.memory_space<vmem_shared>> -> memref<10240x128xf32, #tpu.memory_space<vmem_shared>>
      tpu.enqueue_indirect_dma source(%arg8 : memref<128x128xf32, #tpu.memory_space<vmem>>) target(%dma_start3A_44 : memref<10240x128xf32, #tpu.memory_space<vmem_shared>>) offsets(%dma_start3A_41 : memref<128xi32, #tpu.memory_space<vmem>>) semaphore(%arg11 : memref<!tpu.dma_semaphore, #tpu.memory_space<semaphore_mem>>) {add = true}
    }
    %scan3A_9 = arith.constant 40 : i32
    %dma_wait3A = arith.constant 1 : i32
    %dma_wait3A_10 = arith.constant 0 : i32
    %dma_wait3A_11 = tpu.memref_slice %arg6[%dma_wait3A, %dma_wait3A_10] : memref<2x128xi32, #tpu.memory_space<vmem>> -> memref<1x128xi32, #tpu.memory_space<vmem>>
    %dma_wait3A_12 = tpu.memref_squeeze %dma_wait3A_11 : memref<1x128xi32, #tpu.memory_space<vmem>> -> memref<128xi32, #tpu.memory_space<vmem>>
    %dma_wait3A_13 = arith.constant 0 : i32
    %dma_wait3A_14 = arith.constant 0 : i32
    %dma_wait3A_15 = tpu.memref_slice %arg9[%dma_wait3A_13, %dma_wait3A_14] : memref<10240x128xf32, #tpu.memory_space<vmem_shared>> -> memref<10240x128xf32, #tpu.memory_space<vmem_shared>>
    tpu.wait_indirect_dma semaphore(%arg10 : memref<!tpu.dma_semaphore, #tpu.memory_space<semaphore_mem>>) src(%arg8 : memref<128x128xf32, #tpu.memory_space<vmem>>) dst(%dma_wait3A_15 : memref<10240x128xf32, #tpu.memory_space<vmem_shared>>)
    %dma_wait3A_16 = arith.constant 1 : i32
    %dma_wait3A_17 = arith.constant 0 : i32
    %dma_wait3A_18 = tpu.memref_slice %arg7[%dma_wait3A_16, %dma_wait3A_17] : memref<2x128xi32, #tpu.memory_space<vmem>> -> memref<1x128xi32, #tpu.memory_space<vmem>>
    %dma_wait3A_19 = tpu.memref_squeeze %dma_wait3A_18 : memref<1x128xi32, #tpu.memory_space<vmem>> -> memref<128xi32, #tpu.memory_space<vmem>>
    %dma_wait3A_20 = arith.constant 0 : i32
    %dma_wait3A_21 = arith.constant 0 : i32
    %dma_wait3A_22 = tpu.memref_slice %arg9[%dma_wait3A_20, %dma_wait3A_21] : memref<10240x128xf32, #tpu.memory_space<vmem_shared>> -> memref<10240x128xf32, #tpu.memory_space<vmem_shared>>
    tpu.wait_indirect_dma semaphore(%arg11 : memref<!tpu.dma_semaphore, #tpu.memory_space<semaphore_mem>>) src(%arg8 : memref<128x128xf32, #tpu.memory_space<vmem>>) dst(%dma_wait3A_22 : memref<10240x128xf32, #tpu.memory_space<vmem_shared>>)
    %barrier3A_23 = arith.constant 0 : index
    tpu.barrier barrier_id(%barrier3A_23)
    "tpu.region"() ({
      %run_scoped3A = tpu.sem_alloc : memref<!tpu.dma_semaphore, #tpu.memory_space<semaphore_mem>>
      %dma_start3A = arith.constant 0 : i32
      %dma_start3A_24 = tpu.memref_slice %arg5[%arg0, %mul3A_2, %dma_start3A] : memref<2x10240x128xf32, #tpu.memory_space<hbm>> -> memref<1x640x128xf32, #tpu.memory_space<hbm>>
      %dma_start3A_25 = tpu.memref_squeeze %dma_start3A_24 : memref<1x640x128xf32, #tpu.memory_space<hbm>> -> memref<640x128xf32, #tpu.memory_space<hbm>>
      %dma_start3A_26 = arith.constant 0 : i32
      %dma_start3A_27 = tpu.memref_slice %arg9[%mul3A_2, %dma_start3A_26] : memref<10240x128xf32, #tpu.memory_space<vmem_shared>> -> memref<640x128xf32, #tpu.memory_space<vmem_shared>>
      tpu.enqueue_dma source(%dma_start3A_27 : memref<640x128xf32, #tpu.memory_space<vmem_shared>>) target(%dma_start3A_25 : memref<640x128xf32, #tpu.memory_space<hbm>>) target_semaphore(%run_scoped3A : memref<!tpu.dma_semaphore, #tpu.memory_space<semaphore_mem>>)
      %dma_wait3A_28 = arith.constant 0 : i32
      %dma_wait3A_29 = tpu.memref_slice %arg5[%arg0, %mul3A_2, %dma_wait3A_28] : memref<2x10240x128xf32, #tpu.memory_space<hbm>> -> memref<1x640x128xf32, #tpu.memory_space<hbm>>
      %dma_wait3A_30 = tpu.memref_squeeze %dma_wait3A_29 : memref<1x640x128xf32, #tpu.memory_space<hbm>> -> memref<640x128xf32, #tpu.memory_space<hbm>>
      %dma_wait3A_31 = arith.constant 0 : i32
      %dma_wait3A_32 = tpu.memref_slice %arg9[%mul3A_2, %dma_wait3A_31] : memref<10240x128xf32, #tpu.memory_space<vmem_shared>> -> memref<640x128xf32, #tpu.memory_space<vmem_shared>>
      tpu.wait_dma2 semaphore(%run_scoped3A : memref<!tpu.dma_semaphore, #tpu.memory_space<semaphore_mem>>) src(%dma_wait3A_32 : memref<640x128xf32, #tpu.memory_space<vmem_shared>>) dst(%dma_wait3A_30 : memref<640x128xf32, #tpu.memory_space<hbm>>)
      tpu.yield
    }) : () -> ()
    return
  }
}

#map = affine_map<(d0, d1) -> (0, 0)>
#map1 = affine_map<(d0, d1) -> (0, 0, 0)>
module attributes {stable_mosaic.version = 14 : i64} {
  func.func @_sc_agg(%arg0: i32, %arg1: i32, %arg2: memref<10240x128xf32, #tpu.memory_space<hbm>>, %arg3: memref<2560x2x128xi32, #tpu.memory_space<hbm>>, %arg4: memref<10240x128xf32, #tpu.memory_space<hbm>>, %arg5: memref<2x10240x128xf32, #tpu.memory_space<hbm>>, %arg6: memref<2x128xi32, #tpu.memory_space<vmem>>, %arg7: memref<2x128xi32, #tpu.memory_space<vmem>>, %arg8: memref<128x128xf32, #tpu.memory_space<vmem>>, %arg9: memref<128x128xf32, #tpu.memory_space<vmem>>, %arg10: memref<10240x128xf32, #tpu.memory_space<vmem_shared>>, %arg11: memref<!tpu.dma_semaphore, #tpu.memory_space<semaphore_mem>>, %arg12: memref<!tpu.dma_semaphore, #tpu.memory_space<semaphore_mem>>, %arg13: memref<!tpu.dma_semaphore, #tpu.memory_space<semaphore_mem>>, %arg14: memref<!tpu.dma_semaphore, #tpu.memory_space<semaphore_mem>>) attributes {dimension_semantics = [#tpu.dimension_semantics<core_parallel>, #tpu.dimension_semantics<subcore_parallel>], iteration_bounds = array<i64: 2, 16>, scalar_prefetch = 0 : i64, scratch_operands = 9 : i64, tpu.core_type = #tpu.core_type<sc_vector_subcore>, window_params = [{transform_indices = #map}, {transform_indices = #map1}, {transform_indices = #map}, {transform_indices = #map1}]} {
    %mul3A = arith.constant 640 : i32
    %mul3A_0 = arith.muli %arg1, %mul3A : i32
    %eq3A = arith.constant 0 : i32
    %eq3A_1 = arith.cmpi eq, %arg0, %eq3A : i32
    %mul3A_2 = arith.constant 132 : i32
    %mul3A_3 = arith.muli %arg1, %mul3A_2 : i32
    %mul3A_4 = arith.constant 28 : i32
    %mul3A_5 = arith.muli %arg1, %mul3A_4 : i32
    %add3A = arith.constant 2112 : i32
    %add3A_6 = arith.addi %add3A, %mul3A_5 : i32
    %select_n3A = arith.select %eq3A_1, %mul3A_3, %add3A_6 : i32
    %eq3A_7 = arith.constant 0 : i32
    %eq3A_8 = arith.cmpi eq, %arg0, %eq3A_7 : i32
    %select_n3A_9 = arith.constant 14 : i32
    %select_n3A_10 = arith.constant 66 : i32
    %select_n3A_11 = arith.select %eq3A_8, %select_n3A_10, %select_n3A_9 : i32
    "tpu.region"() ({
      %run_scoped3A = tpu.sem_alloc : memref<!tpu.dma_semaphore, #tpu.memory_space<semaphore_mem>>
      %dma_start3A = arith.constant 0 : i32
      %dma_start3A_35 = tpu.memref_slice %arg10[%mul3A_0, %dma_start3A] : memref<10240x128xf32, #tpu.memory_space<vmem_shared>> -> memref<640x128xf32, #tpu.memory_space<vmem_shared>>
      %dma_start3A_36 = arith.constant 0 : i32
      %dma_start3A_37 = tpu.memref_slice %arg4[%mul3A_0, %dma_start3A_36] : memref<10240x128xf32, #tpu.memory_space<hbm>> -> memref<640x128xf32, #tpu.memory_space<hbm>>
      tpu.enqueue_dma source(%dma_start3A_37 : memref<640x128xf32, #tpu.memory_space<hbm>>) target(%dma_start3A_35 : memref<640x128xf32, #tpu.memory_space<vmem_shared>>) target_semaphore(%run_scoped3A : memref<!tpu.dma_semaphore, #tpu.memory_space<semaphore_mem>>)
      %dma_wait3A_38 = arith.constant 0 : i32
      %dma_wait3A_39 = tpu.memref_slice %arg10[%mul3A_0, %dma_wait3A_38] : memref<10240x128xf32, #tpu.memory_space<vmem_shared>> -> memref<640x128xf32, #tpu.memory_space<vmem_shared>>
      %dma_wait3A_40 = arith.constant 0 : i32
      %dma_wait3A_41 = tpu.memref_slice %arg4[%mul3A_0, %dma_wait3A_40] : memref<10240x128xf32, #tpu.memory_space<hbm>> -> memref<640x128xf32, #tpu.memory_space<hbm>>
      tpu.wait_dma2 semaphore(%run_scoped3A : memref<!tpu.dma_semaphore, #tpu.memory_space<semaphore_mem>>) src(%dma_wait3A_41 : memref<640x128xf32, #tpu.memory_space<hbm>>) dst(%dma_wait3A_39 : memref<640x128xf32, #tpu.memory_space<vmem_shared>>)
      tpu.yield
    }) : () -> ()
    %barrier3A = arith.constant 0 : index
    tpu.barrier barrier_id(%barrier3A)
    %while3A = arith.constant 0 : i32
    %while3A_12 = arith.constant 0 : i32
    %while3A_13 = arith.subi %select_n3A_11, %while3A_12 : i32
    %while3A_14 = arith.addi %while3A_12, %while3A_13 : i32
    %while3A_15 = arith.constant 1 : i32
    %while3A_16 = arith.divsi %while3A_13, %while3A_15 : i32
    %while3A_17 = arith.muli %while3A_16, %while3A_15 : i32
    %while3A_18 = arith.addi %while3A_12, %while3A_17 : i32
    %while3A_19 = arith.constant 1 : i32
    scf.for %while3A_35 = %while3A_12 to %while3A_18 step %while3A_19  : i32 {
      %gt3A = arith.constant 0 : i32
      %gt3A_36 = arith.cmpi sgt, %while3A_35, %gt3A : i32
      %convert_element_type3A = arith.extui %gt3A_36 : i1 to i32
      %cond3A = arith.constant 0 : i32
      %cond3A_37 = arith.cmpi ne, %convert_element_type3A, %cond3A : i32
      scf.if %cond3A_37 {
        %dma_wait3A_84 = arith.constant 1 : i32
        %dma_wait3A_85 = arith.constant 0 : i32
        %dma_wait3A_86 = tpu.memref_slice %arg6[%dma_wait3A_84, %dma_wait3A_85] : memref<2x128xi32, #tpu.memory_space<vmem>> -> memref<1x128xi32, #tpu.memory_space<vmem>>
        %dma_wait3A_87 = tpu.memref_squeeze %dma_wait3A_86 : memref<1x128xi32, #tpu.memory_space<vmem>> -> memref<128xi32, #tpu.memory_space<vmem>>
        %dma_wait3A_88 = arith.constant 0 : i32
        %dma_wait3A_89 = arith.constant 0 : i32
        %dma_wait3A_90 = tpu.memref_slice %arg10[%dma_wait3A_88, %dma_wait3A_89] : memref<10240x128xf32, #tpu.memory_space<vmem_shared>> -> memref<10240x128xf32, #tpu.memory_space<vmem_shared>>
        tpu.wait_indirect_dma semaphore(%arg13 : memref<!tpu.dma_semaphore, #tpu.memory_space<semaphore_mem>>) src(%arg8 : memref<128x128xf32, #tpu.memory_space<vmem>>) dst(%dma_wait3A_90 : memref<10240x128xf32, #tpu.memory_space<vmem_shared>>)
        %dma_wait3A_91 = arith.constant 1 : i32
        %dma_wait3A_92 = arith.constant 0 : i32
        %dma_wait3A_93 = tpu.memref_slice %arg7[%dma_wait3A_91, %dma_wait3A_92] : memref<2x128xi32, #tpu.memory_space<vmem>> -> memref<1x128xi32, #tpu.memory_space<vmem>>
        %dma_wait3A_94 = tpu.memref_squeeze %dma_wait3A_93 : memref<1x128xi32, #tpu.memory_space<vmem>> -> memref<128xi32, #tpu.memory_space<vmem>>
        %dma_wait3A_95 = arith.constant 0 : i32
        %dma_wait3A_96 = arith.constant 0 : i32
        %dma_wait3A_97 = tpu.memref_slice %arg10[%dma_wait3A_95, %dma_wait3A_96] : memref<10240x128xf32, #tpu.memory_space<vmem_shared>> -> memref<10240x128xf32, #tpu.memory_space<vmem_shared>>
        tpu.wait_indirect_dma semaphore(%arg14 : memref<!tpu.dma_semaphore, #tpu.memory_space<semaphore_mem>>) src(%arg9 : memref<128x128xf32, #tpu.memory_space<vmem>>) dst(%dma_wait3A_97 : memref<10240x128xf32, #tpu.memory_space<vmem_shared>>)
      } else {
      }
      %mul3A_38 = arith.constant 2 : i32
      %mul3A_39 = arith.muli %mul3A_38, %while3A_35 : i32
      %add3A_40 = arith.addi %select_n3A, %mul3A_39 : i32
      "tpu.region"() ({
        %run_scoped3A = tpu.sem_alloc : memref<!tpu.dma_semaphore, #tpu.memory_space<semaphore_mem>>
        %dma_start3A_84 = arith.constant 0 : i32
        %dma_start3A_85 = arith.constant 0 : i32
        %dma_start3A_86 = tpu.memref_slice %arg3[%add3A_40, %dma_start3A_84, %dma_start3A_85] : memref<2560x2x128xi32, #tpu.memory_space<hbm>> -> memref<1x2x128xi32, #tpu.memory_space<hbm>>
        %dma_start3A_87 = tpu.memref_squeeze %dma_start3A_86 : memref<1x2x128xi32, #tpu.memory_space<hbm>> -> memref<2x128xi32, #tpu.memory_space<hbm>>
        %dma_start3A_88 = arith.constant 0 : i32
        %dma_start3A_89 = arith.constant 0 : i32
        %dma_start3A_90 = tpu.memref_slice %arg3[%add3A_40, %dma_start3A_88, %dma_start3A_89] : memref<2560x2x128xi32, #tpu.memory_space<hbm>> -> memref<1x2x128xi32, #tpu.memory_space<hbm>>
        %dma_start3A_91 = tpu.memref_squeeze %dma_start3A_90 : memref<1x2x128xi32, #tpu.memory_space<hbm>> -> memref<2x128xi32, #tpu.memory_space<hbm>>
        tpu.enqueue_dma source(%dma_start3A_91 : memref<2x128xi32, #tpu.memory_space<hbm>>) target(%arg6 : memref<2x128xi32, #tpu.memory_space<vmem>>) target_semaphore(%run_scoped3A : memref<!tpu.dma_semaphore, #tpu.memory_space<semaphore_mem>>)
        %dma_wait3A_92 = arith.constant 0 : i32
        %dma_wait3A_93 = arith.constant 0 : i32
        %dma_wait3A_94 = tpu.memref_slice %arg3[%add3A_40, %dma_wait3A_92, %dma_wait3A_93] : memref<2560x2x128xi32, #tpu.memory_space<hbm>> -> memref<1x2x128xi32, #tpu.memory_space<hbm>>
        %dma_wait3A_95 = tpu.memref_squeeze %dma_wait3A_94 : memref<1x2x128xi32, #tpu.memory_space<hbm>> -> memref<2x128xi32, #tpu.memory_space<hbm>>
        %dma_wait3A_96 = arith.constant 0 : i32
        %dma_wait3A_97 = arith.constant 0 : i32
        %dma_wait3A_98 = tpu.memref_slice %arg3[%add3A_40, %dma_wait3A_96, %dma_wait3A_97] : memref<2560x2x128xi32, #tpu.memory_space<hbm>> -> memref<1x2x128xi32, #tpu.memory_space<hbm>>
        %dma_wait3A_99 = tpu.memref_squeeze %dma_wait3A_98 : memref<1x2x128xi32, #tpu.memory_space<hbm>> -> memref<2x128xi32, #tpu.memory_space<hbm>>
        tpu.wait_dma2 semaphore(%run_scoped3A : memref<!tpu.dma_semaphore, #tpu.memory_space<semaphore_mem>>) src(%dma_wait3A_99 : memref<2x128xi32, #tpu.memory_space<hbm>>) dst(%arg6 : memref<2x128xi32, #tpu.memory_space<vmem>>)
        tpu.yield
      }) : () -> ()
      %dma_start3A = arith.constant 0 : i32
      %dma_start3A_41 = arith.constant 0 : i32
      %dma_start3A_42 = tpu.memref_slice %arg6[%dma_start3A, %dma_start3A_41] : memref<2x128xi32, #tpu.memory_space<vmem>> -> memref<1x128xi32, #tpu.memory_space<vmem>>
      %dma_start3A_43 = tpu.memref_squeeze %dma_start3A_42 : memref<1x128xi32, #tpu.memory_space<vmem>> -> memref<128xi32, #tpu.memory_space<vmem>>
      %dma_start3A_44 = arith.constant 0 : i32
      %dma_start3A_45 = arith.constant 0 : i32
      %dma_start3A_46 = tpu.memref_slice %arg2[%dma_start3A_44, %dma_start3A_45] : memref<10240x128xf32, #tpu.memory_space<hbm>> -> memref<10240x128xf32, #tpu.memory_space<hbm>>
      tpu.enqueue_indirect_dma source(%dma_start3A_46 : memref<10240x128xf32, #tpu.memory_space<hbm>>) target(%arg8 : memref<128x128xf32, #tpu.memory_space<vmem>>) offsets(%dma_start3A_43 : memref<128xi32, #tpu.memory_space<vmem>>) semaphore(%arg11 : memref<!tpu.dma_semaphore, #tpu.memory_space<semaphore_mem>>)
      %add3A_47 = arith.constant 1 : i32
      %add3A_48 = arith.addi %add3A_40, %add3A_47 : i32
      "tpu.region"() ({
        %run_scoped3A = tpu.sem_alloc : memref<!tpu.dma_semaphore, #tpu.memory_space<semaphore_mem>>
        %dma_start3A_84 = arith.constant 0 : i32
        %dma_start3A_85 = arith.constant 0 : i32
        %dma_start3A_86 = tpu.memref_slice %arg3[%add3A_48, %dma_start3A_84, %dma_start3A_85] : memref<2560x2x128xi32, #tpu.memory_space<hbm>> -> memref<1x2x128xi32, #tpu.memory_space<hbm>>
        %dma_start3A_87 = tpu.memref_squeeze %dma_start3A_86 : memref<1x2x128xi32, #tpu.memory_space<hbm>> -> memref<2x128xi32, #tpu.memory_space<hbm>>
        %dma_start3A_88 = arith.constant 0 : i32
        %dma_start3A_89 = arith.constant 0 : i32
        %dma_start3A_90 = tpu.memref_slice %arg3[%add3A_48, %dma_start3A_88, %dma_start3A_89] : memref<2560x2x128xi32, #tpu.memory_space<hbm>> -> memref<1x2x128xi32, #tpu.memory_space<hbm>>
        %dma_start3A_91 = tpu.memref_squeeze %dma_start3A_90 : memref<1x2x128xi32, #tpu.memory_space<hbm>> -> memref<2x128xi32, #tpu.memory_space<hbm>>
        tpu.enqueue_dma source(%dma_start3A_91 : memref<2x128xi32, #tpu.memory_space<hbm>>) target(%arg7 : memref<2x128xi32, #tpu.memory_space<vmem>>) target_semaphore(%run_scoped3A : memref<!tpu.dma_semaphore, #tpu.memory_space<semaphore_mem>>)
        %dma_wait3A_92 = arith.constant 0 : i32
        %dma_wait3A_93 = arith.constant 0 : i32
        %dma_wait3A_94 = tpu.memref_slice %arg3[%add3A_48, %dma_wait3A_92, %dma_wait3A_93] : memref<2560x2x128xi32, #tpu.memory_space<hbm>> -> memref<1x2x128xi32, #tpu.memory_space<hbm>>
        %dma_wait3A_95 = tpu.memref_squeeze %dma_wait3A_94 : memref<1x2x128xi32, #tpu.memory_space<hbm>> -> memref<2x128xi32, #tpu.memory_space<hbm>>
        %dma_wait3A_96 = arith.constant 0 : i32
        %dma_wait3A_97 = arith.constant 0 : i32
        %dma_wait3A_98 = tpu.memref_slice %arg3[%add3A_48, %dma_wait3A_96, %dma_wait3A_97] : memref<2560x2x128xi32, #tpu.memory_space<hbm>> -> memref<1x2x128xi32, #tpu.memory_space<hbm>>
        %dma_wait3A_99 = tpu.memref_squeeze %dma_wait3A_98 : memref<1x2x128xi32, #tpu.memory_space<hbm>> -> memref<2x128xi32, #tpu.memory_space<hbm>>
        tpu.wait_dma2 semaphore(%run_scoped3A : memref<!tpu.dma_semaphore, #tpu.memory_space<semaphore_mem>>) src(%dma_wait3A_99 : memref<2x128xi32, #tpu.memory_space<hbm>>) dst(%arg7 : memref<2x128xi32, #tpu.memory_space<vmem>>)
        tpu.yield
      }) : () -> ()
      %dma_start3A_49 = arith.constant 0 : i32
      %dma_start3A_50 = arith.constant 0 : i32
      %dma_start3A_51 = tpu.memref_slice %arg7[%dma_start3A_49, %dma_start3A_50] : memref<2x128xi32, #tpu.memory_space<vmem>> -> memref<1x128xi32, #tpu.memory_space<vmem>>
      %dma_start3A_52 = tpu.memref_squeeze %dma_start3A_51 : memref<1x128xi32, #tpu.memory_space<vmem>> -> memref<128xi32, #tpu.memory_space<vmem>>
      %dma_start3A_53 = arith.constant 0 : i32
      %dma_start3A_54 = arith.constant 0 : i32
      %dma_start3A_55 = tpu.memref_slice %arg2[%dma_start3A_53, %dma_start3A_54] : memref<10240x128xf32, #tpu.memory_space<hbm>> -> memref<10240x128xf32, #tpu.memory_space<hbm>>
      tpu.enqueue_indirect_dma source(%dma_start3A_55 : memref<10240x128xf32, #tpu.memory_space<hbm>>) target(%arg9 : memref<128x128xf32, #tpu.memory_space<vmem>>) offsets(%dma_start3A_52 : memref<128xi32, #tpu.memory_space<vmem>>) semaphore(%arg12 : memref<!tpu.dma_semaphore, #tpu.memory_space<semaphore_mem>>)
      %dma_wait3A_56 = arith.constant 0 : i32
      %dma_wait3A_57 = arith.constant 0 : i32
      %dma_wait3A_58 = tpu.memref_slice %arg6[%dma_wait3A_56, %dma_wait3A_57] : memref<2x128xi32, #tpu.memory_space<vmem>> -> memref<1x128xi32, #tpu.memory_space<vmem>>
      %dma_wait3A_59 = tpu.memref_squeeze %dma_wait3A_58 : memref<1x128xi32, #tpu.memory_space<vmem>> -> memref<128xi32, #tpu.memory_space<vmem>>
      %dma_wait3A_60 = arith.constant 0 : i32
      %dma_wait3A_61 = arith.constant 0 : i32
      %dma_wait3A_62 = tpu.memref_slice %arg2[%dma_wait3A_60, %dma_wait3A_61] : memref<10240x128xf32, #tpu.memory_space<hbm>> -> memref<10240x128xf32, #tpu.memory_space<hbm>>
      tpu.wait_indirect_dma semaphore(%arg11 : memref<!tpu.dma_semaphore, #tpu.memory_space<semaphore_mem>>) src(%dma_wait3A_62 : memref<10240x128xf32, #tpu.memory_space<hbm>>) dst(%arg8 : memref<128x128xf32, #tpu.memory_space<vmem>>)
      %dma_start3A_63 = arith.constant 1 : i32
      %dma_start3A_64 = arith.constant 0 : i32
      %dma_start3A_65 = tpu.memref_slice %arg6[%dma_start3A_63, %dma_start3A_64] : memref<2x128xi32, #tpu.memory_space<vmem>> -> memref<1x128xi32, #tpu.memory_space<vmem>>
      %dma_start3A_66 = tpu.memref_squeeze %dma_start3A_65 : memref<1x128xi32, #tpu.memory_space<vmem>> -> memref<128xi32, #tpu.memory_space<vmem>>
      %dma_start3A_67 = arith.constant 0 : i32
      %dma_start3A_68 = arith.constant 0 : i32
      %dma_start3A_69 = tpu.memref_slice %arg10[%dma_start3A_67, %dma_start3A_68] : memref<10240x128xf32, #tpu.memory_space<vmem_shared>> -> memref<10240x128xf32, #tpu.memory_space<vmem_shared>>
      tpu.enqueue_indirect_dma source(%arg8 : memref<128x128xf32, #tpu.memory_space<vmem>>) target(%dma_start3A_69 : memref<10240x128xf32, #tpu.memory_space<vmem_shared>>) offsets(%dma_start3A_66 : memref<128xi32, #tpu.memory_space<vmem>>) semaphore(%arg13 : memref<!tpu.dma_semaphore, #tpu.memory_space<semaphore_mem>>) {add = true}
      %dma_wait3A_70 = arith.constant 0 : i32
      %dma_wait3A_71 = arith.constant 0 : i32
      %dma_wait3A_72 = tpu.memref_slice %arg7[%dma_wait3A_70, %dma_wait3A_71] : memref<2x128xi32, #tpu.memory_space<vmem>> -> memref<1x128xi32, #tpu.memory_space<vmem>>
      %dma_wait3A_73 = tpu.memref_squeeze %dma_wait3A_72 : memref<1x128xi32, #tpu.memory_space<vmem>> -> memref<128xi32, #tpu.memory_space<vmem>>
      %dma_wait3A_74 = arith.constant 0 : i32
      %dma_wait3A_75 = arith.constant 0 : i32
      %dma_wait3A_76 = tpu.memref_slice %arg2[%dma_wait3A_74, %dma_wait3A_75] : memref<10240x128xf32, #tpu.memory_space<hbm>> -> memref<10240x128xf32, #tpu.memory_space<hbm>>
      tpu.wait_indirect_dma semaphore(%arg12 : memref<!tpu.dma_semaphore, #tpu.memory_space<semaphore_mem>>) src(%dma_wait3A_76 : memref<10240x128xf32, #tpu.memory_space<hbm>>) dst(%arg9 : memref<128x128xf32, #tpu.memory_space<vmem>>)
      %dma_start3A_77 = arith.constant 1 : i32
      %dma_start3A_78 = arith.constant 0 : i32
      %dma_start3A_79 = tpu.memref_slice %arg7[%dma_start3A_77, %dma_start3A_78] : memref<2x128xi32, #tpu.memory_space<vmem>> -> memref<1x128xi32, #tpu.memory_space<vmem>>
      %dma_start3A_80 = tpu.memref_squeeze %dma_start3A_79 : memref<1x128xi32, #tpu.memory_space<vmem>> -> memref<128xi32, #tpu.memory_space<vmem>>
      %dma_start3A_81 = arith.constant 0 : i32
      %dma_start3A_82 = arith.constant 0 : i32
      %dma_start3A_83 = tpu.memref_slice %arg10[%dma_start3A_81, %dma_start3A_82] : memref<10240x128xf32, #tpu.memory_space<vmem_shared>> -> memref<10240x128xf32, #tpu.memory_space<vmem_shared>>
      tpu.enqueue_indirect_dma source(%arg9 : memref<128x128xf32, #tpu.memory_space<vmem>>) target(%dma_start3A_83 : memref<10240x128xf32, #tpu.memory_space<vmem_shared>>) offsets(%dma_start3A_80 : memref<128xi32, #tpu.memory_space<vmem>>) semaphore(%arg14 : memref<!tpu.dma_semaphore, #tpu.memory_space<semaphore_mem>>) {add = true}
    }
    %while3A_20 = arith.constant 1 : i32
    scf.for %while3A_35 = %while3A_18 to %while3A_14 step %while3A_20  : i32 {
      %gt3A = arith.constant 0 : i32
      %gt3A_36 = arith.cmpi sgt, %while3A_35, %gt3A : i32
      %convert_element_type3A = arith.extui %gt3A_36 : i1 to i32
      %cond3A = arith.constant 0 : i32
      %cond3A_37 = arith.cmpi ne, %convert_element_type3A, %cond3A : i32
      scf.if %cond3A_37 {
        %dma_wait3A_84 = arith.constant 1 : i32
        %dma_wait3A_85 = arith.constant 0 : i32
        %dma_wait3A_86 = tpu.memref_slice %arg6[%dma_wait3A_84, %dma_wait3A_85] : memref<2x128xi32, #tpu.memory_space<vmem>> -> memref<1x128xi32, #tpu.memory_space<vmem>>
        %dma_wait3A_87 = tpu.memref_squeeze %dma_wait3A_86 : memref<1x128xi32, #tpu.memory_space<vmem>> -> memref<128xi32, #tpu.memory_space<vmem>>
        %dma_wait3A_88 = arith.constant 0 : i32
        %dma_wait3A_89 = arith.constant 0 : i32
        %dma_wait3A_90 = tpu.memref_slice %arg10[%dma_wait3A_88, %dma_wait3A_89] : memref<10240x128xf32, #tpu.memory_space<vmem_shared>> -> memref<10240x128xf32, #tpu.memory_space<vmem_shared>>
        tpu.wait_indirect_dma semaphore(%arg13 : memref<!tpu.dma_semaphore, #tpu.memory_space<semaphore_mem>>) src(%arg8 : memref<128x128xf32, #tpu.memory_space<vmem>>) dst(%dma_wait3A_90 : memref<10240x128xf32, #tpu.memory_space<vmem_shared>>)
        %dma_wait3A_91 = arith.constant 1 : i32
        %dma_wait3A_92 = arith.constant 0 : i32
        %dma_wait3A_93 = tpu.memref_slice %arg7[%dma_wait3A_91, %dma_wait3A_92] : memref<2x128xi32, #tpu.memory_space<vmem>> -> memref<1x128xi32, #tpu.memory_space<vmem>>
        %dma_wait3A_94 = tpu.memref_squeeze %dma_wait3A_93 : memref<1x128xi32, #tpu.memory_space<vmem>> -> memref<128xi32, #tpu.memory_space<vmem>>
        %dma_wait3A_95 = arith.constant 0 : i32
        %dma_wait3A_96 = arith.constant 0 : i32
        %dma_wait3A_97 = tpu.memref_slice %arg10[%dma_wait3A_95, %dma_wait3A_96] : memref<10240x128xf32, #tpu.memory_space<vmem_shared>> -> memref<10240x128xf32, #tpu.memory_space<vmem_shared>>
        tpu.wait_indirect_dma semaphore(%arg14 : memref<!tpu.dma_semaphore, #tpu.memory_space<semaphore_mem>>) src(%arg9 : memref<128x128xf32, #tpu.memory_space<vmem>>) dst(%dma_wait3A_97 : memref<10240x128xf32, #tpu.memory_space<vmem_shared>>)
      } else {
      }
      %mul3A_38 = arith.constant 2 : i32
      %mul3A_39 = arith.muli %mul3A_38, %while3A_35 : i32
      %add3A_40 = arith.addi %select_n3A, %mul3A_39 : i32
      "tpu.region"() ({
        %run_scoped3A = tpu.sem_alloc : memref<!tpu.dma_semaphore, #tpu.memory_space<semaphore_mem>>
        %dma_start3A_84 = arith.constant 0 : i32
        %dma_start3A_85 = arith.constant 0 : i32
        %dma_start3A_86 = tpu.memref_slice %arg3[%add3A_40, %dma_start3A_84, %dma_start3A_85] : memref<2560x2x128xi32, #tpu.memory_space<hbm>> -> memref<1x2x128xi32, #tpu.memory_space<hbm>>
        %dma_start3A_87 = tpu.memref_squeeze %dma_start3A_86 : memref<1x2x128xi32, #tpu.memory_space<hbm>> -> memref<2x128xi32, #tpu.memory_space<hbm>>
        %dma_start3A_88 = arith.constant 0 : i32
        %dma_start3A_89 = arith.constant 0 : i32
        %dma_start3A_90 = tpu.memref_slice %arg3[%add3A_40, %dma_start3A_88, %dma_start3A_89] : memref<2560x2x128xi32, #tpu.memory_space<hbm>> -> memref<1x2x128xi32, #tpu.memory_space<hbm>>
        %dma_start3A_91 = tpu.memref_squeeze %dma_start3A_90 : memref<1x2x128xi32, #tpu.memory_space<hbm>> -> memref<2x128xi32, #tpu.memory_space<hbm>>
        tpu.enqueue_dma source(%dma_start3A_91 : memref<2x128xi32, #tpu.memory_space<hbm>>) target(%arg6 : memref<2x128xi32, #tpu.memory_space<vmem>>) target_semaphore(%run_scoped3A : memref<!tpu.dma_semaphore, #tpu.memory_space<semaphore_mem>>)
        %dma_wait3A_92 = arith.constant 0 : i32
        %dma_wait3A_93 = arith.constant 0 : i32
        %dma_wait3A_94 = tpu.memref_slice %arg3[%add3A_40, %dma_wait3A_92, %dma_wait3A_93] : memref<2560x2x128xi32, #tpu.memory_space<hbm>> -> memref<1x2x128xi32, #tpu.memory_space<hbm>>
        %dma_wait3A_95 = tpu.memref_squeeze %dma_wait3A_94 : memref<1x2x128xi32, #tpu.memory_space<hbm>> -> memref<2x128xi32, #tpu.memory_space<hbm>>
        %dma_wait3A_96 = arith.constant 0 : i32
        %dma_wait3A_97 = arith.constant 0 : i32
        %dma_wait3A_98 = tpu.memref_slice %arg3[%add3A_40, %dma_wait3A_96, %dma_wait3A_97] : memref<2560x2x128xi32, #tpu.memory_space<hbm>> -> memref<1x2x128xi32, #tpu.memory_space<hbm>>
        %dma_wait3A_99 = tpu.memref_squeeze %dma_wait3A_98 : memref<1x2x128xi32, #tpu.memory_space<hbm>> -> memref<2x128xi32, #tpu.memory_space<hbm>>
        tpu.wait_dma2 semaphore(%run_scoped3A : memref<!tpu.dma_semaphore, #tpu.memory_space<semaphore_mem>>) src(%dma_wait3A_99 : memref<2x128xi32, #tpu.memory_space<hbm>>) dst(%arg6 : memref<2x128xi32, #tpu.memory_space<vmem>>)
        tpu.yield
      }) : () -> ()
      %dma_start3A = arith.constant 0 : i32
      %dma_start3A_41 = arith.constant 0 : i32
      %dma_start3A_42 = tpu.memref_slice %arg6[%dma_start3A, %dma_start3A_41] : memref<2x128xi32, #tpu.memory_space<vmem>> -> memref<1x128xi32, #tpu.memory_space<vmem>>
      %dma_start3A_43 = tpu.memref_squeeze %dma_start3A_42 : memref<1x128xi32, #tpu.memory_space<vmem>> -> memref<128xi32, #tpu.memory_space<vmem>>
      %dma_start3A_44 = arith.constant 0 : i32
      %dma_start3A_45 = arith.constant 0 : i32
      %dma_start3A_46 = tpu.memref_slice %arg2[%dma_start3A_44, %dma_start3A_45] : memref<10240x128xf32, #tpu.memory_space<hbm>> -> memref<10240x128xf32, #tpu.memory_space<hbm>>
      tpu.enqueue_indirect_dma source(%dma_start3A_46 : memref<10240x128xf32, #tpu.memory_space<hbm>>) target(%arg8 : memref<128x128xf32, #tpu.memory_space<vmem>>) offsets(%dma_start3A_43 : memref<128xi32, #tpu.memory_space<vmem>>) semaphore(%arg11 : memref<!tpu.dma_semaphore, #tpu.memory_space<semaphore_mem>>)
      %add3A_47 = arith.constant 1 : i32
      %add3A_48 = arith.addi %add3A_40, %add3A_47 : i32
      "tpu.region"() ({
        %run_scoped3A = tpu.sem_alloc : memref<!tpu.dma_semaphore, #tpu.memory_space<semaphore_mem>>
        %dma_start3A_84 = arith.constant 0 : i32
        %dma_start3A_85 = arith.constant 0 : i32
        %dma_start3A_86 = tpu.memref_slice %arg3[%add3A_48, %dma_start3A_84, %dma_start3A_85] : memref<2560x2x128xi32, #tpu.memory_space<hbm>> -> memref<1x2x128xi32, #tpu.memory_space<hbm>>
        %dma_start3A_87 = tpu.memref_squeeze %dma_start3A_86 : memref<1x2x128xi32, #tpu.memory_space<hbm>> -> memref<2x128xi32, #tpu.memory_space<hbm>>
        %dma_start3A_88 = arith.constant 0 : i32
        %dma_start3A_89 = arith.constant 0 : i32
        %dma_start3A_90 = tpu.memref_slice %arg3[%add3A_48, %dma_start3A_88, %dma_start3A_89] : memref<2560x2x128xi32, #tpu.memory_space<hbm>> -> memref<1x2x128xi32, #tpu.memory_space<hbm>>
        %dma_start3A_91 = tpu.memref_squeeze %dma_start3A_90 : memref<1x2x128xi32, #tpu.memory_space<hbm>> -> memref<2x128xi32, #tpu.memory_space<hbm>>
        tpu.enqueue_dma source(%dma_start3A_91 : memref<2x128xi32, #tpu.memory_space<hbm>>) target(%arg7 : memref<2x128xi32, #tpu.memory_space<vmem>>) target_semaphore(%run_scoped3A : memref<!tpu.dma_semaphore, #tpu.memory_space<semaphore_mem>>)
        %dma_wait3A_92 = arith.constant 0 : i32
        %dma_wait3A_93 = arith.constant 0 : i32
        %dma_wait3A_94 = tpu.memref_slice %arg3[%add3A_48, %dma_wait3A_92, %dma_wait3A_93] : memref<2560x2x128xi32, #tpu.memory_space<hbm>> -> memref<1x2x128xi32, #tpu.memory_space<hbm>>
        %dma_wait3A_95 = tpu.memref_squeeze %dma_wait3A_94 : memref<1x2x128xi32, #tpu.memory_space<hbm>> -> memref<2x128xi32, #tpu.memory_space<hbm>>
        %dma_wait3A_96 = arith.constant 0 : i32
        %dma_wait3A_97 = arith.constant 0 : i32
        %dma_wait3A_98 = tpu.memref_slice %arg3[%add3A_48, %dma_wait3A_96, %dma_wait3A_97] : memref<2560x2x128xi32, #tpu.memory_space<hbm>> -> memref<1x2x128xi32, #tpu.memory_space<hbm>>
        %dma_wait3A_99 = tpu.memref_squeeze %dma_wait3A_98 : memref<1x2x128xi32, #tpu.memory_space<hbm>> -> memref<2x128xi32, #tpu.memory_space<hbm>>
        tpu.wait_dma2 semaphore(%run_scoped3A : memref<!tpu.dma_semaphore, #tpu.memory_space<semaphore_mem>>) src(%dma_wait3A_99 : memref<2x128xi32, #tpu.memory_space<hbm>>) dst(%arg7 : memref<2x128xi32, #tpu.memory_space<vmem>>)
        tpu.yield
      }) : () -> ()
      %dma_start3A_49 = arith.constant 0 : i32
      %dma_start3A_50 = arith.constant 0 : i32
      %dma_start3A_51 = tpu.memref_slice %arg7[%dma_start3A_49, %dma_start3A_50] : memref<2x128xi32, #tpu.memory_space<vmem>> -> memref<1x128xi32, #tpu.memory_space<vmem>>
      %dma_start3A_52 = tpu.memref_squeeze %dma_start3A_51 : memref<1x128xi32, #tpu.memory_space<vmem>> -> memref<128xi32, #tpu.memory_space<vmem>>
      %dma_start3A_53 = arith.constant 0 : i32
      %dma_start3A_54 = arith.constant 0 : i32
      %dma_start3A_55 = tpu.memref_slice %arg2[%dma_start3A_53, %dma_start3A_54] : memref<10240x128xf32, #tpu.memory_space<hbm>> -> memref<10240x128xf32, #tpu.memory_space<hbm>>
      tpu.enqueue_indirect_dma source(%dma_start3A_55 : memref<10240x128xf32, #tpu.memory_space<hbm>>) target(%arg9 : memref<128x128xf32, #tpu.memory_space<vmem>>) offsets(%dma_start3A_52 : memref<128xi32, #tpu.memory_space<vmem>>) semaphore(%arg12 : memref<!tpu.dma_semaphore, #tpu.memory_space<semaphore_mem>>)
      %dma_wait3A_56 = arith.constant 0 : i32
      %dma_wait3A_57 = arith.constant 0 : i32
      %dma_wait3A_58 = tpu.memref_slice %arg6[%dma_wait3A_56, %dma_wait3A_57] : memref<2x128xi32, #tpu.memory_space<vmem>> -> memref<1x128xi32, #tpu.memory_space<vmem>>
      %dma_wait3A_59 = tpu.memref_squeeze %dma_wait3A_58 : memref<1x128xi32, #tpu.memory_space<vmem>> -> memref<128xi32, #tpu.memory_space<vmem>>
      %dma_wait3A_60 = arith.constant 0 : i32
      %dma_wait3A_61 = arith.constant 0 : i32
      %dma_wait3A_62 = tpu.memref_slice %arg2[%dma_wait3A_60, %dma_wait3A_61] : memref<10240x128xf32, #tpu.memory_space<hbm>> -> memref<10240x128xf32, #tpu.memory_space<hbm>>
      tpu.wait_indirect_dma semaphore(%arg11 : memref<!tpu.dma_semaphore, #tpu.memory_space<semaphore_mem>>) src(%dma_wait3A_62 : memref<10240x128xf32, #tpu.memory_space<hbm>>) dst(%arg8 : memref<128x128xf32, #tpu.memory_space<vmem>>)
      %dma_start3A_63 = arith.constant 1 : i32
      %dma_start3A_64 = arith.constant 0 : i32
      %dma_start3A_65 = tpu.memref_slice %arg6[%dma_start3A_63, %dma_start3A_64] : memref<2x128xi32, #tpu.memory_space<vmem>> -> memref<1x128xi32, #tpu.memory_space<vmem>>
      %dma_start3A_66 = tpu.memref_squeeze %dma_start3A_65 : memref<1x128xi32, #tpu.memory_space<vmem>> -> memref<128xi32, #tpu.memory_space<vmem>>
      %dma_start3A_67 = arith.constant 0 : i32
      %dma_start3A_68 = arith.constant 0 : i32
      %dma_start3A_69 = tpu.memref_slice %arg10[%dma_start3A_67, %dma_start3A_68] : memref<10240x128xf32, #tpu.memory_space<vmem_shared>> -> memref<10240x128xf32, #tpu.memory_space<vmem_shared>>
      tpu.enqueue_indirect_dma source(%arg8 : memref<128x128xf32, #tpu.memory_space<vmem>>) target(%dma_start3A_69 : memref<10240x128xf32, #tpu.memory_space<vmem_shared>>) offsets(%dma_start3A_66 : memref<128xi32, #tpu.memory_space<vmem>>) semaphore(%arg13 : memref<!tpu.dma_semaphore, #tpu.memory_space<semaphore_mem>>) {add = true}
      %dma_wait3A_70 = arith.constant 0 : i32
      %dma_wait3A_71 = arith.constant 0 : i32
      %dma_wait3A_72 = tpu.memref_slice %arg7[%dma_wait3A_70, %dma_wait3A_71] : memref<2x128xi32, #tpu.memory_space<vmem>> -> memref<1x128xi32, #tpu.memory_space<vmem>>
      %dma_wait3A_73 = tpu.memref_squeeze %dma_wait3A_72 : memref<1x128xi32, #tpu.memory_space<vmem>> -> memref<128xi32, #tpu.memory_space<vmem>>
      %dma_wait3A_74 = arith.constant 0 : i32
      %dma_wait3A_75 = arith.constant 0 : i32
      %dma_wait3A_76 = tpu.memref_slice %arg2[%dma_wait3A_74, %dma_wait3A_75] : memref<10240x128xf32, #tpu.memory_space<hbm>> -> memref<10240x128xf32, #tpu.memory_space<hbm>>
      tpu.wait_indirect_dma semaphore(%arg12 : memref<!tpu.dma_semaphore, #tpu.memory_space<semaphore_mem>>) src(%dma_wait3A_76 : memref<10240x128xf32, #tpu.memory_space<hbm>>) dst(%arg9 : memref<128x128xf32, #tpu.memory_space<vmem>>)
      %dma_start3A_77 = arith.constant 1 : i32
      %dma_start3A_78 = arith.constant 0 : i32
      %dma_start3A_79 = tpu.memref_slice %arg7[%dma_start3A_77, %dma_start3A_78] : memref<2x128xi32, #tpu.memory_space<vmem>> -> memref<1x128xi32, #tpu.memory_space<vmem>>
      %dma_start3A_80 = tpu.memref_squeeze %dma_start3A_79 : memref<1x128xi32, #tpu.memory_space<vmem>> -> memref<128xi32, #tpu.memory_space<vmem>>
      %dma_start3A_81 = arith.constant 0 : i32
      %dma_start3A_82 = arith.constant 0 : i32
      %dma_start3A_83 = tpu.memref_slice %arg10[%dma_start3A_81, %dma_start3A_82] : memref<10240x128xf32, #tpu.memory_space<vmem_shared>> -> memref<10240x128xf32, #tpu.memory_space<vmem_shared>>
      tpu.enqueue_indirect_dma source(%arg9 : memref<128x128xf32, #tpu.memory_space<vmem>>) target(%dma_start3A_83 : memref<10240x128xf32, #tpu.memory_space<vmem_shared>>) offsets(%dma_start3A_80 : memref<128xi32, #tpu.memory_space<vmem>>) semaphore(%arg14 : memref<!tpu.dma_semaphore, #tpu.memory_space<semaphore_mem>>) {add = true}
    }
    %dma_wait3A = arith.constant 1 : i32
    %dma_wait3A_21 = arith.constant 0 : i32
    %dma_wait3A_22 = tpu.memref_slice %arg6[%dma_wait3A, %dma_wait3A_21] : memref<2x128xi32, #tpu.memory_space<vmem>> -> memref<1x128xi32, #tpu.memory_space<vmem>>
    %dma_wait3A_23 = tpu.memref_squeeze %dma_wait3A_22 : memref<1x128xi32, #tpu.memory_space<vmem>> -> memref<128xi32, #tpu.memory_space<vmem>>
    %dma_wait3A_24 = arith.constant 0 : i32
    %dma_wait3A_25 = arith.constant 0 : i32
    %dma_wait3A_26 = tpu.memref_slice %arg10[%dma_wait3A_24, %dma_wait3A_25] : memref<10240x128xf32, #tpu.memory_space<vmem_shared>> -> memref<10240x128xf32, #tpu.memory_space<vmem_shared>>
    tpu.wait_indirect_dma semaphore(%arg13 : memref<!tpu.dma_semaphore, #tpu.memory_space<semaphore_mem>>) src(%arg8 : memref<128x128xf32, #tpu.memory_space<vmem>>) dst(%dma_wait3A_26 : memref<10240x128xf32, #tpu.memory_space<vmem_shared>>)
    %dma_wait3A_27 = arith.constant 1 : i32
    %dma_wait3A_28 = arith.constant 0 : i32
    %dma_wait3A_29 = tpu.memref_slice %arg7[%dma_wait3A_27, %dma_wait3A_28] : memref<2x128xi32, #tpu.memory_space<vmem>> -> memref<1x128xi32, #tpu.memory_space<vmem>>
    %dma_wait3A_30 = tpu.memref_squeeze %dma_wait3A_29 : memref<1x128xi32, #tpu.memory_space<vmem>> -> memref<128xi32, #tpu.memory_space<vmem>>
    %dma_wait3A_31 = arith.constant 0 : i32
    %dma_wait3A_32 = arith.constant 0 : i32
    %dma_wait3A_33 = tpu.memref_slice %arg10[%dma_wait3A_31, %dma_wait3A_32] : memref<10240x128xf32, #tpu.memory_space<vmem_shared>> -> memref<10240x128xf32, #tpu.memory_space<vmem_shared>>
    tpu.wait_indirect_dma semaphore(%arg14 : memref<!tpu.dma_semaphore, #tpu.memory_space<semaphore_mem>>) src(%arg9 : memref<128x128xf32, #tpu.memory_space<vmem>>) dst(%dma_wait3A_33 : memref<10240x128xf32, #tpu.memory_space<vmem_shared>>)
    %barrier3A_34 = arith.constant 0 : index
    tpu.barrier barrier_id(%barrier3A_34)
    "tpu.region"() ({
      %run_scoped3A = tpu.sem_alloc : memref<!tpu.dma_semaphore, #tpu.memory_space<semaphore_mem>>
      %dma_start3A = arith.constant 0 : i32
      %dma_start3A_35 = tpu.memref_slice %arg5[%arg0, %mul3A_0, %dma_start3A] : memref<2x10240x128xf32, #tpu.memory_space<hbm>> -> memref<1x640x128xf32, #tpu.memory_space<hbm>>
      %dma_start3A_36 = tpu.memref_squeeze %dma_start3A_35 : memref<1x640x128xf32, #tpu.memory_space<hbm>> -> memref<640x128xf32, #tpu.memory_space<hbm>>
      %dma_start3A_37 = arith.constant 0 : i32
      %dma_start3A_38 = tpu.memref_slice %arg10[%mul3A_0, %dma_start3A_37] : memref<10240x128xf32, #tpu.memory_space<vmem_shared>> -> memref<640x128xf32, #tpu.memory_space<vmem_shared>>
      tpu.enqueue_dma source(%dma_start3A_38 : memref<640x128xf32, #tpu.memory_space<vmem_shared>>) target(%dma_start3A_36 : memref<640x128xf32, #tpu.memory_space<hbm>>) target_semaphore(%run_scoped3A : memref<!tpu.dma_semaphore, #tpu.memory_space<semaphore_mem>>)
      %dma_wait3A_39 = arith.constant 0 : i32
      %dma_wait3A_40 = tpu.memref_slice %arg5[%arg0, %mul3A_0, %dma_wait3A_39] : memref<2x10240x128xf32, #tpu.memory_space<hbm>> -> memref<1x640x128xf32, #tpu.memory_space<hbm>>
      %dma_wait3A_41 = tpu.memref_squeeze %dma_wait3A_40 : memref<1x640x128xf32, #tpu.memory_space<hbm>> -> memref<640x128xf32, #tpu.memory_space<hbm>>
      %dma_wait3A_42 = arith.constant 0 : i32
      %dma_wait3A_43 = tpu.memref_slice %arg10[%mul3A_0, %dma_wait3A_42] : memref<10240x128xf32, #tpu.memory_space<vmem_shared>> -> memref<640x128xf32, #tpu.memory_space<vmem_shared>>
      tpu.wait_dma2 semaphore(%run_scoped3A : memref<!tpu.dma_semaphore, #tpu.memory_space<semaphore_mem>>) src(%dma_wait3A_43 : memref<640x128xf32, #tpu.memory_space<vmem_shared>>) dst(%dma_wait3A_41 : memref<640x128xf32, #tpu.memory_space<hbm>>)
      tpu.yield
    }) : () -> ()
    return
  }
}

#map = affine_map<(d0, d1) -> (0, 0)>
#map1 = affine_map<(d0, d1) -> (0, 0, 0)>
module attributes {stable_mosaic.version = 14 : i64} {
  func.func @_sc_agg(%arg0: i32, %arg1: i32, %arg2: memref<10240x128xf32, #tpu.memory_space<hbm>>, %arg3: memref<2560x2x128xi32, #tpu.memory_space<hbm>>, %arg4: memref<10240x128xf32, #tpu.memory_space<hbm>>, %arg5: memref<2x10240x128xf32, #tpu.memory_space<hbm>>, %arg6: memref<2x128xi32, #tpu.memory_space<vmem>>, %arg7: memref<2x128xi32, #tpu.memory_space<vmem>>, %arg8: memref<128x128xf32, #tpu.memory_space<vmem>>, %arg9: memref<128x128xf32, #tpu.memory_space<vmem>>, %arg10: memref<10240x128xf32, #tpu.memory_space<vmem_shared>>, %arg11: memref<!tpu.dma_semaphore, #tpu.memory_space<semaphore_mem>>, %arg12: memref<!tpu.dma_semaphore, #tpu.memory_space<semaphore_mem>>, %arg13: memref<!tpu.dma_semaphore, #tpu.memory_space<semaphore_mem>>, %arg14: memref<!tpu.dma_semaphore, #tpu.memory_space<semaphore_mem>>) attributes {dimension_semantics = [#tpu.dimension_semantics<core_parallel>, #tpu.dimension_semantics<subcore_parallel>], iteration_bounds = array<i64: 2, 16>, scalar_prefetch = 0 : i64, scratch_operands = 9 : i64, tpu.core_type = #tpu.core_type<sc_vector_subcore>, window_params = [{transform_indices = #map}, {transform_indices = #map1}, {transform_indices = #map}, {transform_indices = #map1}]} {
    %mul3A = arith.constant 640 : i32
    %mul3A_0 = arith.muli %arg1, %mul3A : i32
    %eq3A = arith.constant 0 : i32
    %eq3A_1 = arith.cmpi eq, %arg0, %eq3A : i32
    %mul3A_2 = arith.constant 132 : i32
    %mul3A_3 = arith.muli %arg1, %mul3A_2 : i32
    %mul3A_4 = arith.constant 28 : i32
    %mul3A_5 = arith.muli %arg1, %mul3A_4 : i32
    %add3A = arith.constant 2112 : i32
    %add3A_6 = arith.addi %add3A, %mul3A_5 : i32
    %select_n3A = arith.select %eq3A_1, %mul3A_3, %add3A_6 : i32
    %eq3A_7 = arith.constant 0 : i32
    %eq3A_8 = arith.cmpi eq, %arg0, %eq3A_7 : i32
    %select_n3A_9 = arith.constant 14 : i32
    %select_n3A_10 = arith.constant 66 : i32
    %select_n3A_11 = arith.select %eq3A_8, %select_n3A_10, %select_n3A_9 : i32
    "tpu.region"() ({
      %run_scoped3A = tpu.sem_alloc : memref<!tpu.dma_semaphore, #tpu.memory_space<semaphore_mem>>
      %dma_start3A = arith.constant 0 : i32
      %dma_start3A_35 = tpu.memref_slice %arg10[%mul3A_0, %dma_start3A] : memref<10240x128xf32, #tpu.memory_space<vmem_shared>> -> memref<640x128xf32, #tpu.memory_space<vmem_shared>>
      %dma_start3A_36 = arith.constant 0 : i32
      %dma_start3A_37 = tpu.memref_slice %arg4[%mul3A_0, %dma_start3A_36] : memref<10240x128xf32, #tpu.memory_space<hbm>> -> memref<640x128xf32, #tpu.memory_space<hbm>>
      tpu.enqueue_dma source(%dma_start3A_37 : memref<640x128xf32, #tpu.memory_space<hbm>>) target(%dma_start3A_35 : memref<640x128xf32, #tpu.memory_space<vmem_shared>>) target_semaphore(%run_scoped3A : memref<!tpu.dma_semaphore, #tpu.memory_space<semaphore_mem>>)
      %dma_wait3A_38 = arith.constant 0 : i32
      %dma_wait3A_39 = tpu.memref_slice %arg10[%mul3A_0, %dma_wait3A_38] : memref<10240x128xf32, #tpu.memory_space<vmem_shared>> -> memref<640x128xf32, #tpu.memory_space<vmem_shared>>
      %dma_wait3A_40 = arith.constant 0 : i32
      %dma_wait3A_41 = tpu.memref_slice %arg4[%mul3A_0, %dma_wait3A_40] : memref<10240x128xf32, #tpu.memory_space<hbm>> -> memref<640x128xf32, #tpu.memory_space<hbm>>
      tpu.wait_dma2 semaphore(%run_scoped3A : memref<!tpu.dma_semaphore, #tpu.memory_space<semaphore_mem>>) src(%dma_wait3A_41 : memref<640x128xf32, #tpu.memory_space<hbm>>) dst(%dma_wait3A_39 : memref<640x128xf32, #tpu.memory_space<vmem_shared>>)
      tpu.yield
    }) : () -> ()
    %barrier3A = arith.constant 0 : index
    tpu.barrier barrier_id(%barrier3A)
    %while3A = arith.constant 0 : i32
    %while3A_12 = arith.constant 0 : i32
    %while3A_13 = arith.subi %select_n3A_11, %while3A_12 : i32
    %while3A_14 = arith.addi %while3A_12, %while3A_13 : i32
    %while3A_15 = arith.constant 1 : i32
    %while3A_16 = arith.divsi %while3A_13, %while3A_15 : i32
    %while3A_17 = arith.muli %while3A_16, %while3A_15 : i32
    %while3A_18 = arith.addi %while3A_12, %while3A_17 : i32
    %while3A_19 = arith.constant 1 : i32
    scf.for %while3A_35 = %while3A_12 to %while3A_18 step %while3A_19  : i32 {
      %gt3A = arith.constant 0 : i32
      %gt3A_36 = arith.cmpi sgt, %while3A_35, %gt3A : i32
      %convert_element_type3A = arith.extui %gt3A_36 : i1 to i32
      %cond3A = arith.constant 0 : i32
      %cond3A_37 = arith.cmpi ne, %convert_element_type3A, %cond3A : i32
      scf.if %cond3A_37 {
        %dma_wait3A_84 = arith.constant 1 : i32
        %dma_wait3A_85 = arith.constant 0 : i32
        %dma_wait3A_86 = tpu.memref_slice %arg6[%dma_wait3A_84, %dma_wait3A_85] : memref<2x128xi32, #tpu.memory_space<vmem>> -> memref<1x128xi32, #tpu.memory_space<vmem>>
        %dma_wait3A_87 = tpu.memref_squeeze %dma_wait3A_86 : memref<1x128xi32, #tpu.memory_space<vmem>> -> memref<128xi32, #tpu.memory_space<vmem>>
        %dma_wait3A_88 = arith.constant 0 : i32
        %dma_wait3A_89 = arith.constant 0 : i32
        %dma_wait3A_90 = tpu.memref_slice %arg10[%dma_wait3A_88, %dma_wait3A_89] : memref<10240x128xf32, #tpu.memory_space<vmem_shared>> -> memref<10240x128xf32, #tpu.memory_space<vmem_shared>>
        tpu.wait_indirect_dma semaphore(%arg13 : memref<!tpu.dma_semaphore, #tpu.memory_space<semaphore_mem>>) src(%arg8 : memref<128x128xf32, #tpu.memory_space<vmem>>) dst(%dma_wait3A_90 : memref<10240x128xf32, #tpu.memory_space<vmem_shared>>)
        %dma_wait3A_91 = arith.constant 1 : i32
        %dma_wait3A_92 = arith.constant 0 : i32
        %dma_wait3A_93 = tpu.memref_slice %arg7[%dma_wait3A_91, %dma_wait3A_92] : memref<2x128xi32, #tpu.memory_space<vmem>> -> memref<1x128xi32, #tpu.memory_space<vmem>>
        %dma_wait3A_94 = tpu.memref_squeeze %dma_wait3A_93 : memref<1x128xi32, #tpu.memory_space<vmem>> -> memref<128xi32, #tpu.memory_space<vmem>>
        %dma_wait3A_95 = arith.constant 0 : i32
        %dma_wait3A_96 = arith.constant 0 : i32
        %dma_wait3A_97 = tpu.memref_slice %arg10[%dma_wait3A_95, %dma_wait3A_96] : memref<10240x128xf32, #tpu.memory_space<vmem_shared>> -> memref<10240x128xf32, #tpu.memory_space<vmem_shared>>
        tpu.wait_indirect_dma semaphore(%arg14 : memref<!tpu.dma_semaphore, #tpu.memory_space<semaphore_mem>>) src(%arg9 : memref<128x128xf32, #tpu.memory_space<vmem>>) dst(%dma_wait3A_97 : memref<10240x128xf32, #tpu.memory_space<vmem_shared>>)
      } else {
      }
      %mul3A_38 = arith.constant 2 : i32
      %mul3A_39 = arith.muli %mul3A_38, %while3A_35 : i32
      %add3A_40 = arith.addi %select_n3A, %mul3A_39 : i32
      "tpu.region"() ({
        %run_scoped3A = tpu.sem_alloc : memref<!tpu.dma_semaphore, #tpu.memory_space<semaphore_mem>>
        %dma_start3A_84 = arith.constant 0 : i32
        %dma_start3A_85 = arith.constant 0 : i32
        %dma_start3A_86 = tpu.memref_slice %arg3[%add3A_40, %dma_start3A_84, %dma_start3A_85] : memref<2560x2x128xi32, #tpu.memory_space<hbm>> -> memref<1x2x128xi32, #tpu.memory_space<hbm>>
        %dma_start3A_87 = tpu.memref_squeeze %dma_start3A_86 : memref<1x2x128xi32, #tpu.memory_space<hbm>> -> memref<2x128xi32, #tpu.memory_space<hbm>>
        %dma_start3A_88 = arith.constant 0 : i32
        %dma_start3A_89 = arith.constant 0 : i32
        %dma_start3A_90 = tpu.memref_slice %arg3[%add3A_40, %dma_start3A_88, %dma_start3A_89] : memref<2560x2x128xi32, #tpu.memory_space<hbm>> -> memref<1x2x128xi32, #tpu.memory_space<hbm>>
        %dma_start3A_91 = tpu.memref_squeeze %dma_start3A_90 : memref<1x2x128xi32, #tpu.memory_space<hbm>> -> memref<2x128xi32, #tpu.memory_space<hbm>>
        tpu.enqueue_dma source(%dma_start3A_91 : memref<2x128xi32, #tpu.memory_space<hbm>>) target(%arg6 : memref<2x128xi32, #tpu.memory_space<vmem>>) target_semaphore(%run_scoped3A : memref<!tpu.dma_semaphore, #tpu.memory_space<semaphore_mem>>)
        %dma_wait3A_92 = arith.constant 0 : i32
        %dma_wait3A_93 = arith.constant 0 : i32
        %dma_wait3A_94 = tpu.memref_slice %arg3[%add3A_40, %dma_wait3A_92, %dma_wait3A_93] : memref<2560x2x128xi32, #tpu.memory_space<hbm>> -> memref<1x2x128xi32, #tpu.memory_space<hbm>>
        %dma_wait3A_95 = tpu.memref_squeeze %dma_wait3A_94 : memref<1x2x128xi32, #tpu.memory_space<hbm>> -> memref<2x128xi32, #tpu.memory_space<hbm>>
        %dma_wait3A_96 = arith.constant 0 : i32
        %dma_wait3A_97 = arith.constant 0 : i32
        %dma_wait3A_98 = tpu.memref_slice %arg3[%add3A_40, %dma_wait3A_96, %dma_wait3A_97] : memref<2560x2x128xi32, #tpu.memory_space<hbm>> -> memref<1x2x128xi32, #tpu.memory_space<hbm>>
        %dma_wait3A_99 = tpu.memref_squeeze %dma_wait3A_98 : memref<1x2x128xi32, #tpu.memory_space<hbm>> -> memref<2x128xi32, #tpu.memory_space<hbm>>
        tpu.wait_dma2 semaphore(%run_scoped3A : memref<!tpu.dma_semaphore, #tpu.memory_space<semaphore_mem>>) src(%dma_wait3A_99 : memref<2x128xi32, #tpu.memory_space<hbm>>) dst(%arg6 : memref<2x128xi32, #tpu.memory_space<vmem>>)
        tpu.yield
      }) : () -> ()
      %dma_start3A = arith.constant 0 : i32
      %dma_start3A_41 = arith.constant 0 : i32
      %dma_start3A_42 = tpu.memref_slice %arg6[%dma_start3A, %dma_start3A_41] : memref<2x128xi32, #tpu.memory_space<vmem>> -> memref<1x128xi32, #tpu.memory_space<vmem>>
      %dma_start3A_43 = tpu.memref_squeeze %dma_start3A_42 : memref<1x128xi32, #tpu.memory_space<vmem>> -> memref<128xi32, #tpu.memory_space<vmem>>
      %dma_start3A_44 = arith.constant 0 : i32
      %dma_start3A_45 = arith.constant 0 : i32
      %dma_start3A_46 = tpu.memref_slice %arg2[%dma_start3A_44, %dma_start3A_45] : memref<10240x128xf32, #tpu.memory_space<hbm>> -> memref<10240x128xf32, #tpu.memory_space<hbm>>
      tpu.enqueue_indirect_dma source(%dma_start3A_46 : memref<10240x128xf32, #tpu.memory_space<hbm>>) target(%arg8 : memref<128x128xf32, #tpu.memory_space<vmem>>) offsets(%dma_start3A_43 : memref<128xi32, #tpu.memory_space<vmem>>) semaphore(%arg11 : memref<!tpu.dma_semaphore, #tpu.memory_space<semaphore_mem>>)
      %add3A_47 = arith.constant 1 : i32
      %add3A_48 = arith.addi %add3A_40, %add3A_47 : i32
      "tpu.region"() ({
        %run_scoped3A = tpu.sem_alloc : memref<!tpu.dma_semaphore, #tpu.memory_space<semaphore_mem>>
        %dma_start3A_84 = arith.constant 0 : i32
        %dma_start3A_85 = arith.constant 0 : i32
        %dma_start3A_86 = tpu.memref_slice %arg3[%add3A_48, %dma_start3A_84, %dma_start3A_85] : memref<2560x2x128xi32, #tpu.memory_space<hbm>> -> memref<1x2x128xi32, #tpu.memory_space<hbm>>
        %dma_start3A_87 = tpu.memref_squeeze %dma_start3A_86 : memref<1x2x128xi32, #tpu.memory_space<hbm>> -> memref<2x128xi32, #tpu.memory_space<hbm>>
        %dma_start3A_88 = arith.constant 0 : i32
        %dma_start3A_89 = arith.constant 0 : i32
        %dma_start3A_90 = tpu.memref_slice %arg3[%add3A_48, %dma_start3A_88, %dma_start3A_89] : memref<2560x2x128xi32, #tpu.memory_space<hbm>> -> memref<1x2x128xi32, #tpu.memory_space<hbm>>
        %dma_start3A_91 = tpu.memref_squeeze %dma_start3A_90 : memref<1x2x128xi32, #tpu.memory_space<hbm>> -> memref<2x128xi32, #tpu.memory_space<hbm>>
        tpu.enqueue_dma source(%dma_start3A_91 : memref<2x128xi32, #tpu.memory_space<hbm>>) target(%arg7 : memref<2x128xi32, #tpu.memory_space<vmem>>) target_semaphore(%run_scoped3A : memref<!tpu.dma_semaphore, #tpu.memory_space<semaphore_mem>>)
        %dma_wait3A_92 = arith.constant 0 : i32
        %dma_wait3A_93 = arith.constant 0 : i32
        %dma_wait3A_94 = tpu.memref_slice %arg3[%add3A_48, %dma_wait3A_92, %dma_wait3A_93] : memref<2560x2x128xi32, #tpu.memory_space<hbm>> -> memref<1x2x128xi32, #tpu.memory_space<hbm>>
        %dma_wait3A_95 = tpu.memref_squeeze %dma_wait3A_94 : memref<1x2x128xi32, #tpu.memory_space<hbm>> -> memref<2x128xi32, #tpu.memory_space<hbm>>
        %dma_wait3A_96 = arith.constant 0 : i32
        %dma_wait3A_97 = arith.constant 0 : i32
        %dma_wait3A_98 = tpu.memref_slice %arg3[%add3A_48, %dma_wait3A_96, %dma_wait3A_97] : memref<2560x2x128xi32, #tpu.memory_space<hbm>> -> memref<1x2x128xi32, #tpu.memory_space<hbm>>
        %dma_wait3A_99 = tpu.memref_squeeze %dma_wait3A_98 : memref<1x2x128xi32, #tpu.memory_space<hbm>> -> memref<2x128xi32, #tpu.memory_space<hbm>>
        tpu.wait_dma2 semaphore(%run_scoped3A : memref<!tpu.dma_semaphore, #tpu.memory_space<semaphore_mem>>) src(%dma_wait3A_99 : memref<2x128xi32, #tpu.memory_space<hbm>>) dst(%arg7 : memref<2x128xi32, #tpu.memory_space<vmem>>)
        tpu.yield
      }) : () -> ()
      %dma_start3A_49 = arith.constant 0 : i32
      %dma_start3A_50 = arith.constant 0 : i32
      %dma_start3A_51 = tpu.memref_slice %arg7[%dma_start3A_49, %dma_start3A_50] : memref<2x128xi32, #tpu.memory_space<vmem>> -> memref<1x128xi32, #tpu.memory_space<vmem>>
      %dma_start3A_52 = tpu.memref_squeeze %dma_start3A_51 : memref<1x128xi32, #tpu.memory_space<vmem>> -> memref<128xi32, #tpu.memory_space<vmem>>
      %dma_start3A_53 = arith.constant 0 : i32
      %dma_start3A_54 = arith.constant 0 : i32
      %dma_start3A_55 = tpu.memref_slice %arg2[%dma_start3A_53, %dma_start3A_54] : memref<10240x128xf32, #tpu.memory_space<hbm>> -> memref<10240x128xf32, #tpu.memory_space<hbm>>
      tpu.enqueue_indirect_dma source(%dma_start3A_55 : memref<10240x128xf32, #tpu.memory_space<hbm>>) target(%arg9 : memref<128x128xf32, #tpu.memory_space<vmem>>) offsets(%dma_start3A_52 : memref<128xi32, #tpu.memory_space<vmem>>) semaphore(%arg12 : memref<!tpu.dma_semaphore, #tpu.memory_space<semaphore_mem>>)
      %dma_wait3A_56 = arith.constant 0 : i32
      %dma_wait3A_57 = arith.constant 0 : i32
      %dma_wait3A_58 = tpu.memref_slice %arg6[%dma_wait3A_56, %dma_wait3A_57] : memref<2x128xi32, #tpu.memory_space<vmem>> -> memref<1x128xi32, #tpu.memory_space<vmem>>
      %dma_wait3A_59 = tpu.memref_squeeze %dma_wait3A_58 : memref<1x128xi32, #tpu.memory_space<vmem>> -> memref<128xi32, #tpu.memory_space<vmem>>
      %dma_wait3A_60 = arith.constant 0 : i32
      %dma_wait3A_61 = arith.constant 0 : i32
      %dma_wait3A_62 = tpu.memref_slice %arg2[%dma_wait3A_60, %dma_wait3A_61] : memref<10240x128xf32, #tpu.memory_space<hbm>> -> memref<10240x128xf32, #tpu.memory_space<hbm>>
      tpu.wait_indirect_dma semaphore(%arg11 : memref<!tpu.dma_semaphore, #tpu.memory_space<semaphore_mem>>) src(%dma_wait3A_62 : memref<10240x128xf32, #tpu.memory_space<hbm>>) dst(%arg8 : memref<128x128xf32, #tpu.memory_space<vmem>>)
      %dma_start3A_63 = arith.constant 1 : i32
      %dma_start3A_64 = arith.constant 0 : i32
      %dma_start3A_65 = tpu.memref_slice %arg6[%dma_start3A_63, %dma_start3A_64] : memref<2x128xi32, #tpu.memory_space<vmem>> -> memref<1x128xi32, #tpu.memory_space<vmem>>
      %dma_start3A_66 = tpu.memref_squeeze %dma_start3A_65 : memref<1x128xi32, #tpu.memory_space<vmem>> -> memref<128xi32, #tpu.memory_space<vmem>>
      %dma_start3A_67 = arith.constant 0 : i32
      %dma_start3A_68 = arith.constant 0 : i32
      %dma_start3A_69 = tpu.memref_slice %arg10[%dma_start3A_67, %dma_start3A_68] : memref<10240x128xf32, #tpu.memory_space<vmem_shared>> -> memref<10240x128xf32, #tpu.memory_space<vmem_shared>>
      tpu.enqueue_indirect_dma source(%arg8 : memref<128x128xf32, #tpu.memory_space<vmem>>) target(%dma_start3A_69 : memref<10240x128xf32, #tpu.memory_space<vmem_shared>>) offsets(%dma_start3A_66 : memref<128xi32, #tpu.memory_space<vmem>>) semaphore(%arg13 : memref<!tpu.dma_semaphore, #tpu.memory_space<semaphore_mem>>) {add = true}
      %dma_wait3A_70 = arith.constant 0 : i32
      %dma_wait3A_71 = arith.constant 0 : i32
      %dma_wait3A_72 = tpu.memref_slice %arg7[%dma_wait3A_70, %dma_wait3A_71] : memref<2x128xi32, #tpu.memory_space<vmem>> -> memref<1x128xi32, #tpu.memory_space<vmem>>
      %dma_wait3A_73 = tpu.memref_squeeze %dma_wait3A_72 : memref<1x128xi32, #tpu.memory_space<vmem>> -> memref<128xi32, #tpu.memory_space<vmem>>
      %dma_wait3A_74 = arith.constant 0 : i32
      %dma_wait3A_75 = arith.constant 0 : i32
      %dma_wait3A_76 = tpu.memref_slice %arg2[%dma_wait3A_74, %dma_wait3A_75] : memref<10240x128xf32, #tpu.memory_space<hbm>> -> memref<10240x128xf32, #tpu.memory_space<hbm>>
      tpu.wait_indirect_dma semaphore(%arg12 : memref<!tpu.dma_semaphore, #tpu.memory_space<semaphore_mem>>) src(%dma_wait3A_76 : memref<10240x128xf32, #tpu.memory_space<hbm>>) dst(%arg9 : memref<128x128xf32, #tpu.memory_space<vmem>>)
      %dma_start3A_77 = arith.constant 1 : i32
      %dma_start3A_78 = arith.constant 0 : i32
      %dma_start3A_79 = tpu.memref_slice %arg7[%dma_start3A_77, %dma_start3A_78] : memref<2x128xi32, #tpu.memory_space<vmem>> -> memref<1x128xi32, #tpu.memory_space<vmem>>
      %dma_start3A_80 = tpu.memref_squeeze %dma_start3A_79 : memref<1x128xi32, #tpu.memory_space<vmem>> -> memref<128xi32, #tpu.memory_space<vmem>>
      %dma_start3A_81 = arith.constant 0 : i32
      %dma_start3A_82 = arith.constant 0 : i32
      %dma_start3A_83 = tpu.memref_slice %arg10[%dma_start3A_81, %dma_start3A_82] : memref<10240x128xf32, #tpu.memory_space<vmem_shared>> -> memref<10240x128xf32, #tpu.memory_space<vmem_shared>>
      tpu.enqueue_indirect_dma source(%arg9 : memref<128x128xf32, #tpu.memory_space<vmem>>) target(%dma_start3A_83 : memref<10240x128xf32, #tpu.memory_space<vmem_shared>>) offsets(%dma_start3A_80 : memref<128xi32, #tpu.memory_space<vmem>>) semaphore(%arg14 : memref<!tpu.dma_semaphore, #tpu.memory_space<semaphore_mem>>) {add = true}
    }
    %while3A_20 = arith.constant 1 : i32
    scf.for %while3A_35 = %while3A_18 to %while3A_14 step %while3A_20  : i32 {
      %gt3A = arith.constant 0 : i32
      %gt3A_36 = arith.cmpi sgt, %while3A_35, %gt3A : i32
      %convert_element_type3A = arith.extui %gt3A_36 : i1 to i32
      %cond3A = arith.constant 0 : i32
      %cond3A_37 = arith.cmpi ne, %convert_element_type3A, %cond3A : i32
      scf.if %cond3A_37 {
        %dma_wait3A_84 = arith.constant 1 : i32
        %dma_wait3A_85 = arith.constant 0 : i32
        %dma_wait3A_86 = tpu.memref_slice %arg6[%dma_wait3A_84, %dma_wait3A_85] : memref<2x128xi32, #tpu.memory_space<vmem>> -> memref<1x128xi32, #tpu.memory_space<vmem>>
        %dma_wait3A_87 = tpu.memref_squeeze %dma_wait3A_86 : memref<1x128xi32, #tpu.memory_space<vmem>> -> memref<128xi32, #tpu.memory_space<vmem>>
        %dma_wait3A_88 = arith.constant 0 : i32
        %dma_wait3A_89 = arith.constant 0 : i32
        %dma_wait3A_90 = tpu.memref_slice %arg10[%dma_wait3A_88, %dma_wait3A_89] : memref<10240x128xf32, #tpu.memory_space<vmem_shared>> -> memref<10240x128xf32, #tpu.memory_space<vmem_shared>>
        tpu.wait_indirect_dma semaphore(%arg13 : memref<!tpu.dma_semaphore, #tpu.memory_space<semaphore_mem>>) src(%arg8 : memref<128x128xf32, #tpu.memory_space<vmem>>) dst(%dma_wait3A_90 : memref<10240x128xf32, #tpu.memory_space<vmem_shared>>)
        %dma_wait3A_91 = arith.constant 1 : i32
        %dma_wait3A_92 = arith.constant 0 : i32
        %dma_wait3A_93 = tpu.memref_slice %arg7[%dma_wait3A_91, %dma_wait3A_92] : memref<2x128xi32, #tpu.memory_space<vmem>> -> memref<1x128xi32, #tpu.memory_space<vmem>>
        %dma_wait3A_94 = tpu.memref_squeeze %dma_wait3A_93 : memref<1x128xi32, #tpu.memory_space<vmem>> -> memref<128xi32, #tpu.memory_space<vmem>>
        %dma_wait3A_95 = arith.constant 0 : i32
        %dma_wait3A_96 = arith.constant 0 : i32
        %dma_wait3A_97 = tpu.memref_slice %arg10[%dma_wait3A_95, %dma_wait3A_96] : memref<10240x128xf32, #tpu.memory_space<vmem_shared>> -> memref<10240x128xf32, #tpu.memory_space<vmem_shared>>
        tpu.wait_indirect_dma semaphore(%arg14 : memref<!tpu.dma_semaphore, #tpu.memory_space<semaphore_mem>>) src(%arg9 : memref<128x128xf32, #tpu.memory_space<vmem>>) dst(%dma_wait3A_97 : memref<10240x128xf32, #tpu.memory_space<vmem_shared>>)
      } else {
      }
      %mul3A_38 = arith.constant 2 : i32
      %mul3A_39 = arith.muli %mul3A_38, %while3A_35 : i32
      %add3A_40 = arith.addi %select_n3A, %mul3A_39 : i32
      "tpu.region"() ({
        %run_scoped3A = tpu.sem_alloc : memref<!tpu.dma_semaphore, #tpu.memory_space<semaphore_mem>>
        %dma_start3A_84 = arith.constant 0 : i32
        %dma_start3A_85 = arith.constant 0 : i32
        %dma_start3A_86 = tpu.memref_slice %arg3[%add3A_40, %dma_start3A_84, %dma_start3A_85] : memref<2560x2x128xi32, #tpu.memory_space<hbm>> -> memref<1x2x128xi32, #tpu.memory_space<hbm>>
        %dma_start3A_87 = tpu.memref_squeeze %dma_start3A_86 : memref<1x2x128xi32, #tpu.memory_space<hbm>> -> memref<2x128xi32, #tpu.memory_space<hbm>>
        %dma_start3A_88 = arith.constant 0 : i32
        %dma_start3A_89 = arith.constant 0 : i32
        %dma_start3A_90 = tpu.memref_slice %arg3[%add3A_40, %dma_start3A_88, %dma_start3A_89] : memref<2560x2x128xi32, #tpu.memory_space<hbm>> -> memref<1x2x128xi32, #tpu.memory_space<hbm>>
        %dma_start3A_91 = tpu.memref_squeeze %dma_start3A_90 : memref<1x2x128xi32, #tpu.memory_space<hbm>> -> memref<2x128xi32, #tpu.memory_space<hbm>>
        tpu.enqueue_dma source(%dma_start3A_91 : memref<2x128xi32, #tpu.memory_space<hbm>>) target(%arg6 : memref<2x128xi32, #tpu.memory_space<vmem>>) target_semaphore(%run_scoped3A : memref<!tpu.dma_semaphore, #tpu.memory_space<semaphore_mem>>)
        %dma_wait3A_92 = arith.constant 0 : i32
        %dma_wait3A_93 = arith.constant 0 : i32
        %dma_wait3A_94 = tpu.memref_slice %arg3[%add3A_40, %dma_wait3A_92, %dma_wait3A_93] : memref<2560x2x128xi32, #tpu.memory_space<hbm>> -> memref<1x2x128xi32, #tpu.memory_space<hbm>>
        %dma_wait3A_95 = tpu.memref_squeeze %dma_wait3A_94 : memref<1x2x128xi32, #tpu.memory_space<hbm>> -> memref<2x128xi32, #tpu.memory_space<hbm>>
        %dma_wait3A_96 = arith.constant 0 : i32
        %dma_wait3A_97 = arith.constant 0 : i32
        %dma_wait3A_98 = tpu.memref_slice %arg3[%add3A_40, %dma_wait3A_96, %dma_wait3A_97] : memref<2560x2x128xi32, #tpu.memory_space<hbm>> -> memref<1x2x128xi32, #tpu.memory_space<hbm>>
        %dma_wait3A_99 = tpu.memref_squeeze %dma_wait3A_98 : memref<1x2x128xi32, #tpu.memory_space<hbm>> -> memref<2x128xi32, #tpu.memory_space<hbm>>
        tpu.wait_dma2 semaphore(%run_scoped3A : memref<!tpu.dma_semaphore, #tpu.memory_space<semaphore_mem>>) src(%dma_wait3A_99 : memref<2x128xi32, #tpu.memory_space<hbm>>) dst(%arg6 : memref<2x128xi32, #tpu.memory_space<vmem>>)
        tpu.yield
      }) : () -> ()
      %dma_start3A = arith.constant 0 : i32
      %dma_start3A_41 = arith.constant 0 : i32
      %dma_start3A_42 = tpu.memref_slice %arg6[%dma_start3A, %dma_start3A_41] : memref<2x128xi32, #tpu.memory_space<vmem>> -> memref<1x128xi32, #tpu.memory_space<vmem>>
      %dma_start3A_43 = tpu.memref_squeeze %dma_start3A_42 : memref<1x128xi32, #tpu.memory_space<vmem>> -> memref<128xi32, #tpu.memory_space<vmem>>
      %dma_start3A_44 = arith.constant 0 : i32
      %dma_start3A_45 = arith.constant 0 : i32
      %dma_start3A_46 = tpu.memref_slice %arg2[%dma_start3A_44, %dma_start3A_45] : memref<10240x128xf32, #tpu.memory_space<hbm>> -> memref<10240x128xf32, #tpu.memory_space<hbm>>
      tpu.enqueue_indirect_dma source(%dma_start3A_46 : memref<10240x128xf32, #tpu.memory_space<hbm>>) target(%arg8 : memref<128x128xf32, #tpu.memory_space<vmem>>) offsets(%dma_start3A_43 : memref<128xi32, #tpu.memory_space<vmem>>) semaphore(%arg11 : memref<!tpu.dma_semaphore, #tpu.memory_space<semaphore_mem>>)
      %add3A_47 = arith.constant 1 : i32
      %add3A_48 = arith.addi %add3A_40, %add3A_47 : i32
      "tpu.region"() ({
        %run_scoped3A = tpu.sem_alloc : memref<!tpu.dma_semaphore, #tpu.memory_space<semaphore_mem>>
        %dma_start3A_84 = arith.constant 0 : i32
        %dma_start3A_85 = arith.constant 0 : i32
        %dma_start3A_86 = tpu.memref_slice %arg3[%add3A_48, %dma_start3A_84, %dma_start3A_85] : memref<2560x2x128xi32, #tpu.memory_space<hbm>> -> memref<1x2x128xi32, #tpu.memory_space<hbm>>
        %dma_start3A_87 = tpu.memref_squeeze %dma_start3A_86 : memref<1x2x128xi32, #tpu.memory_space<hbm>> -> memref<2x128xi32, #tpu.memory_space<hbm>>
        %dma_start3A_88 = arith.constant 0 : i32
        %dma_start3A_89 = arith.constant 0 : i32
        %dma_start3A_90 = tpu.memref_slice %arg3[%add3A_48, %dma_start3A_88, %dma_start3A_89] : memref<2560x2x128xi32, #tpu.memory_space<hbm>> -> memref<1x2x128xi32, #tpu.memory_space<hbm>>
        %dma_start3A_91 = tpu.memref_squeeze %dma_start3A_90 : memref<1x2x128xi32, #tpu.memory_space<hbm>> -> memref<2x128xi32, #tpu.memory_space<hbm>>
        tpu.enqueue_dma source(%dma_start3A_91 : memref<2x128xi32, #tpu.memory_space<hbm>>) target(%arg7 : memref<2x128xi32, #tpu.memory_space<vmem>>) target_semaphore(%run_scoped3A : memref<!tpu.dma_semaphore, #tpu.memory_space<semaphore_mem>>)
        %dma_wait3A_92 = arith.constant 0 : i32
        %dma_wait3A_93 = arith.constant 0 : i32
        %dma_wait3A_94 = tpu.memref_slice %arg3[%add3A_48, %dma_wait3A_92, %dma_wait3A_93] : memref<2560x2x128xi32, #tpu.memory_space<hbm>> -> memref<1x2x128xi32, #tpu.memory_space<hbm>>
        %dma_wait3A_95 = tpu.memref_squeeze %dma_wait3A_94 : memref<1x2x128xi32, #tpu.memory_space<hbm>> -> memref<2x128xi32, #tpu.memory_space<hbm>>
        %dma_wait3A_96 = arith.constant 0 : i32
        %dma_wait3A_97 = arith.constant 0 : i32
        %dma_wait3A_98 = tpu.memref_slice %arg3[%add3A_48, %dma_wait3A_96, %dma_wait3A_97] : memref<2560x2x128xi32, #tpu.memory_space<hbm>> -> memref<1x2x128xi32, #tpu.memory_space<hbm>>
        %dma_wait3A_99 = tpu.memref_squeeze %dma_wait3A_98 : memref<1x2x128xi32, #tpu.memory_space<hbm>> -> memref<2x128xi32, #tpu.memory_space<hbm>>
        tpu.wait_dma2 semaphore(%run_scoped3A : memref<!tpu.dma_semaphore, #tpu.memory_space<semaphore_mem>>) src(%dma_wait3A_99 : memref<2x128xi32, #tpu.memory_space<hbm>>) dst(%arg7 : memref<2x128xi32, #tpu.memory_space<vmem>>)
        tpu.yield
      }) : () -> ()
      %dma_start3A_49 = arith.constant 0 : i32
      %dma_start3A_50 = arith.constant 0 : i32
      %dma_start3A_51 = tpu.memref_slice %arg7[%dma_start3A_49, %dma_start3A_50] : memref<2x128xi32, #tpu.memory_space<vmem>> -> memref<1x128xi32, #tpu.memory_space<vmem>>
      %dma_start3A_52 = tpu.memref_squeeze %dma_start3A_51 : memref<1x128xi32, #tpu.memory_space<vmem>> -> memref<128xi32, #tpu.memory_space<vmem>>
      %dma_start3A_53 = arith.constant 0 : i32
      %dma_start3A_54 = arith.constant 0 : i32
      %dma_start3A_55 = tpu.memref_slice %arg2[%dma_start3A_53, %dma_start3A_54] : memref<10240x128xf32, #tpu.memory_space<hbm>> -> memref<10240x128xf32, #tpu.memory_space<hbm>>
      tpu.enqueue_indirect_dma source(%dma_start3A_55 : memref<10240x128xf32, #tpu.memory_space<hbm>>) target(%arg9 : memref<128x128xf32, #tpu.memory_space<vmem>>) offsets(%dma_start3A_52 : memref<128xi32, #tpu.memory_space<vmem>>) semaphore(%arg12 : memref<!tpu.dma_semaphore, #tpu.memory_space<semaphore_mem>>)
      %dma_wait3A_56 = arith.constant 0 : i32
      %dma_wait3A_57 = arith.constant 0 : i32
      %dma_wait3A_58 = tpu.memref_slice %arg6[%dma_wait3A_56, %dma_wait3A_57] : memref<2x128xi32, #tpu.memory_space<vmem>> -> memref<1x128xi32, #tpu.memory_space<vmem>>
      %dma_wait3A_59 = tpu.memref_squeeze %dma_wait3A_58 : memref<1x128xi32, #tpu.memory_space<vmem>> -> memref<128xi32, #tpu.memory_space<vmem>>
      %dma_wait3A_60 = arith.constant 0 : i32
      %dma_wait3A_61 = arith.constant 0 : i32
      %dma_wait3A_62 = tpu.memref_slice %arg2[%dma_wait3A_60, %dma_wait3A_61] : memref<10240x128xf32, #tpu.memory_space<hbm>> -> memref<10240x128xf32, #tpu.memory_space<hbm>>
      tpu.wait_indirect_dma semaphore(%arg11 : memref<!tpu.dma_semaphore, #tpu.memory_space<semaphore_mem>>) src(%dma_wait3A_62 : memref<10240x128xf32, #tpu.memory_space<hbm>>) dst(%arg8 : memref<128x128xf32, #tpu.memory_space<vmem>>)
      %dma_start3A_63 = arith.constant 1 : i32
      %dma_start3A_64 = arith.constant 0 : i32
      %dma_start3A_65 = tpu.memref_slice %arg6[%dma_start3A_63, %dma_start3A_64] : memref<2x128xi32, #tpu.memory_space<vmem>> -> memref<1x128xi32, #tpu.memory_space<vmem>>
      %dma_start3A_66 = tpu.memref_squeeze %dma_start3A_65 : memref<1x128xi32, #tpu.memory_space<vmem>> -> memref<128xi32, #tpu.memory_space<vmem>>
      %dma_start3A_67 = arith.constant 0 : i32
      %dma_start3A_68 = arith.constant 0 : i32
      %dma_start3A_69 = tpu.memref_slice %arg10[%dma_start3A_67, %dma_start3A_68] : memref<10240x128xf32, #tpu.memory_space<vmem_shared>> -> memref<10240x128xf32, #tpu.memory_space<vmem_shared>>
      tpu.enqueue_indirect_dma source(%arg8 : memref<128x128xf32, #tpu.memory_space<vmem>>) target(%dma_start3A_69 : memref<10240x128xf32, #tpu.memory_space<vmem_shared>>) offsets(%dma_start3A_66 : memref<128xi32, #tpu.memory_space<vmem>>) semaphore(%arg13 : memref<!tpu.dma_semaphore, #tpu.memory_space<semaphore_mem>>) {add = true}
      %dma_wait3A_70 = arith.constant 0 : i32
      %dma_wait3A_71 = arith.constant 0 : i32
      %dma_wait3A_72 = tpu.memref_slice %arg7[%dma_wait3A_70, %dma_wait3A_71] : memref<2x128xi32, #tpu.memory_space<vmem>> -> memref<1x128xi32, #tpu.memory_space<vmem>>
      %dma_wait3A_73 = tpu.memref_squeeze %dma_wait3A_72 : memref<1x128xi32, #tpu.memory_space<vmem>> -> memref<128xi32, #tpu.memory_space<vmem>>
      %dma_wait3A_74 = arith.constant 0 : i32
      %dma_wait3A_75 = arith.constant 0 : i32
      %dma_wait3A_76 = tpu.memref_slice %arg2[%dma_wait3A_74, %dma_wait3A_75] : memref<10240x128xf32, #tpu.memory_space<hbm>> -> memref<10240x128xf32, #tpu.memory_space<hbm>>
      tpu.wait_indirect_dma semaphore(%arg12 : memref<!tpu.dma_semaphore, #tpu.memory_space<semaphore_mem>>) src(%dma_wait3A_76 : memref<10240x128xf32, #tpu.memory_space<hbm>>) dst(%arg9 : memref<128x128xf32, #tpu.memory_space<vmem>>)
      %dma_start3A_77 = arith.constant 1 : i32
      %dma_start3A_78 = arith.constant 0 : i32
      %dma_start3A_79 = tpu.memref_slice %arg7[%dma_start3A_77, %dma_start3A_78] : memref<2x128xi32, #tpu.memory_space<vmem>> -> memref<1x128xi32, #tpu.memory_space<vmem>>
      %dma_start3A_80 = tpu.memref_squeeze %dma_start3A_79 : memref<1x128xi32, #tpu.memory_space<vmem>> -> memref<128xi32, #tpu.memory_space<vmem>>
      %dma_start3A_81 = arith.constant 0 : i32
      %dma_start3A_82 = arith.constant 0 : i32
      %dma_start3A_83 = tpu.memref_slice %arg10[%dma_start3A_81, %dma_start3A_82] : memref<10240x128xf32, #tpu.memory_space<vmem_shared>> -> memref<10240x128xf32, #tpu.memory_space<vmem_shared>>
      tpu.enqueue_indirect_dma source(%arg9 : memref<128x128xf32, #tpu.memory_space<vmem>>) target(%dma_start3A_83 : memref<10240x128xf32, #tpu.memory_space<vmem_shared>>) offsets(%dma_start3A_80 : memref<128xi32, #tpu.memory_space<vmem>>) semaphore(%arg14 : memref<!tpu.dma_semaphore, #tpu.memory_space<semaphore_mem>>) {add = true}
    }
    %dma_wait3A = arith.constant 1 : i32
    %dma_wait3A_21 = arith.constant 0 : i32
    %dma_wait3A_22 = tpu.memref_slice %arg6[%dma_wait3A, %dma_wait3A_21] : memref<2x128xi32, #tpu.memory_space<vmem>> -> memref<1x128xi32, #tpu.memory_space<vmem>>
    %dma_wait3A_23 = tpu.memref_squeeze %dma_wait3A_22 : memref<1x128xi32, #tpu.memory_space<vmem>> -> memref<128xi32, #tpu.memory_space<vmem>>
    %dma_wait3A_24 = arith.constant 0 : i32
    %dma_wait3A_25 = arith.constant 0 : i32
    %dma_wait3A_26 = tpu.memref_slice %arg10[%dma_wait3A_24, %dma_wait3A_25] : memref<10240x128xf32, #tpu.memory_space<vmem_shared>> -> memref<10240x128xf32, #tpu.memory_space<vmem_shared>>
    tpu.wait_indirect_dma semaphore(%arg13 : memref<!tpu.dma_semaphore, #tpu.memory_space<semaphore_mem>>) src(%arg8 : memref<128x128xf32, #tpu.memory_space<vmem>>) dst(%dma_wait3A_26 : memref<10240x128xf32, #tpu.memory_space<vmem_shared>>)
    %dma_wait3A_27 = arith.constant 1 : i32
    %dma_wait3A_28 = arith.constant 0 : i32
    %dma_wait3A_29 = tpu.memref_slice %arg7[%dma_wait3A_27, %dma_wait3A_28] : memref<2x128xi32, #tpu.memory_space<vmem>> -> memref<1x128xi32, #tpu.memory_space<vmem>>
    %dma_wait3A_30 = tpu.memref_squeeze %dma_wait3A_29 : memref<1x128xi32, #tpu.memory_space<vmem>> -> memref<128xi32, #tpu.memory_space<vmem>>
    %dma_wait3A_31 = arith.constant 0 : i32
    %dma_wait3A_32 = arith.constant 0 : i32
    %dma_wait3A_33 = tpu.memref_slice %arg10[%dma_wait3A_31, %dma_wait3A_32] : memref<10240x128xf32, #tpu.memory_space<vmem_shared>> -> memref<10240x128xf32, #tpu.memory_space<vmem_shared>>
    tpu.wait_indirect_dma semaphore(%arg14 : memref<!tpu.dma_semaphore, #tpu.memory_space<semaphore_mem>>) src(%arg9 : memref<128x128xf32, #tpu.memory_space<vmem>>) dst(%dma_wait3A_33 : memref<10240x128xf32, #tpu.memory_space<vmem_shared>>)
    %barrier3A_34 = arith.constant 0 : index
    tpu.barrier barrier_id(%barrier3A_34)
    "tpu.region"() ({
      %run_scoped3A = tpu.sem_alloc : memref<!tpu.dma_semaphore, #tpu.memory_space<semaphore_mem>>
      %dma_start3A = arith.constant 0 : i32
      %dma_start3A_35 = tpu.memref_slice %arg5[%arg0, %mul3A_0, %dma_start3A] : memref<2x10240x128xf32, #tpu.memory_space<hbm>> -> memref<1x640x128xf32, #tpu.memory_space<hbm>>
      %dma_start3A_36 = tpu.memref_squeeze %dma_start3A_35 : memref<1x640x128xf32, #tpu.memory_space<hbm>> -> memref<640x128xf32, #tpu.memory_space<hbm>>
      %dma_start3A_37 = arith.constant 0 : i32
      %dma_start3A_38 = tpu.memref_slice %arg10[%mul3A_0, %dma_start3A_37] : memref<10240x128xf32, #tpu.memory_space<vmem_shared>> -> memref<640x128xf32, #tpu.memory_space<vmem_shared>>
      tpu.enqueue_dma source(%dma_start3A_38 : memref<640x128xf32, #tpu.memory_space<vmem_shared>>) target(%dma_start3A_36 : memref<640x128xf32, #tpu.memory_space<hbm>>) target_semaphore(%run_scoped3A : memref<!tpu.dma_semaphore, #tpu.memory_space<semaphore_mem>>)
      %dma_wait3A_39 = arith.constant 0 : i32
      %dma_wait3A_40 = tpu.memref_slice %arg5[%arg0, %mul3A_0, %dma_wait3A_39] : memref<2x10240x128xf32, #tpu.memory_space<hbm>> -> memref<1x640x128xf32, #tpu.memory_space<hbm>>
      %dma_wait3A_41 = tpu.memref_squeeze %dma_wait3A_40 : memref<1x640x128xf32, #tpu.memory_space<hbm>> -> memref<640x128xf32, #tpu.memory_space<hbm>>
      %dma_wait3A_42 = arith.constant 0 : i32
      %dma_wait3A_43 = tpu.memref_slice %arg10[%mul3A_0, %dma_wait3A_42] : memref<10240x128xf32, #tpu.memory_space<vmem_shared>> -> memref<640x128xf32, #tpu.memory_space<vmem_shared>>
      tpu.wait_dma2 semaphore(%run_scoped3A : memref<!tpu.dma_semaphore, #tpu.memory_space<semaphore_mem>>) src(%dma_wait3A_43 : memref<640x128xf32, #tpu.memory_space<vmem_shared>>) dst(%dma_wait3A_41 : memref<640x128xf32, #tpu.memory_space<hbm>>)
      tpu.yield
    }) : () -> ()
    return
  }
}

module attributes {stable_mosaic.version = 14 : i64} {
  func.func @_tc1_body(%arg0: i32, %arg1: memref<512x128xf32, #tpu.memory_space<vmem>>, %arg2: memref<128x128xf32, #tpu.memory_space<vmem>>, %arg3: memref<128x128xf32, #tpu.memory_space<vmem>>, %arg4: memref<512x128xf32, #tpu.memory_space<vmem>>, %arg5: memref<512x128xf32, #tpu.memory_space<vmem>>) attributes {dimension_semantics = [#tpu.dimension_semantics<arbitrary>], iteration_bounds = array<i64: 20>, scalar_prefetch = 0 : i64, scratch_operands = 0 : i64, tpu.core_type = #tpu.core_type<tc>, window_params = [{transform_indices = @transform_0, window_bounds = array<i64: 512, 128>}, {pipeline_mode = #tpu.pipeline_mode<synchronous>, transform_indices = @transform_1, window_bounds = array<i64: 128, 128>}, {pipeline_mode = #tpu.pipeline_mode<synchronous>, transform_indices = @transform_2, window_bounds = array<i64: 128, 128>}, {transform_indices = @transform_3, window_bounds = array<i64: 512, 128>}, {transform_indices = @transform_4, window_bounds = array<i64: 512, 128>}]} {
    %get3A = arith.constant 0 : index
    %get3A_0 = arith.constant 0 : index
    %get3A_1 = vector.load %arg1[%get3A, %get3A_0] : memref<512x128xf32, #tpu.memory_space<vmem>>, vector<512x128xf32>
    %get3A_2 = arith.constant 0 : index
    %get3A_3 = arith.constant 0 : index
    %get3A_4 = vector.load %arg2[%get3A_2, %get3A_3] : memref<128x128xf32, #tpu.memory_space<vmem>>, vector<128x128xf32>
    %dot_general3A = arith.constant dense<0.000000e+00> : vector<512x128xf32>
    %dot_general3A_5 = tpu.matmul %get3A_1, %get3A_4, %dot_general3A {dimension_numbers = #tpu.dot_dimension_numbers<[1], [0], [0], [1], [0, 0, 1, 1], [], []>, transpose_lhs_hint = false} : vector<512x128xf32>, vector<128x128xf32>, vector<512x128xf32> -> vector<512x128xf32>
    %swap3A = arith.constant 0 : index
    %swap3A_6 = arith.constant 0 : index
    %swap3A_7 = vector.load %arg4[%swap3A, %swap3A_6] : memref<512x128xf32, #tpu.memory_space<vmem>>, vector<512x128xf32>
    tpu.vector_store %arg4[%swap3A, %swap3A_6], %dot_general3A_5 {strides = array<i32>} : memref<512x128xf32, #tpu.memory_space<vmem>>, vector<512x128xf32>,
    %get3A_8 = arith.constant 0 : index
    %get3A_9 = arith.constant 0 : index
    %get3A_10 = vector.load %arg3[%get3A_8, %get3A_9] : memref<128x128xf32, #tpu.memory_space<vmem>>, vector<128x128xf32>
    %dot_general3A_11 = arith.constant dense<0.000000e+00> : vector<512x128xf32>
    %dot_general3A_12 = tpu.matmul %get3A_1, %get3A_10, %dot_general3A_11 {dimension_numbers = #tpu.dot_dimension_numbers<[1], [0], [0], [1], [0, 0, 1, 1], [], []>, transpose_lhs_hint = false} : vector<512x128xf32>, vector<128x128xf32>, vector<512x128xf32> -> vector<512x128xf32>
    %swap3A_13 = arith.constant 0 : index
    %swap3A_14 = arith.constant 0 : index
    %swap3A_15 = vector.load %arg5[%swap3A_13, %swap3A_14] : memref<512x128xf32, #tpu.memory_space<vmem>>, vector<512x128xf32>
    tpu.vector_store %arg5[%swap3A_13, %swap3A_14], %dot_general3A_12 {strides = array<i32>} : memref<512x128xf32, #tpu.memory_space<vmem>>, vector<512x128xf32>,
    return
  }
  func.func @transform_0(%arg0: i32) -> (i32, i32) {
    %c0_i32 = arith.constant 0 : i32
    %c0_i32_0 = arith.constant 0 : i32
    return %arg0, %c0_i32 : i32, i32
  }
  func.func @transform_1(%arg0: i32) -> (i32, i32) {
    %c0_i32 = arith.constant 0 : i32
    %c0_i32_0 = arith.constant 0 : i32
    %c0_i32_1 = arith.constant 0 : i32
    return %c0_i32, %c0_i32_0 : i32, i32
  }
  func.func @transform_2(%arg0: i32) -> (i32, i32) {
    %c0_i32 = arith.constant 0 : i32
    %c0_i32_0 = arith.constant 0 : i32
    %c0_i32_1 = arith.constant 0 : i32
    return %c0_i32, %c0_i32_0 : i32, i32
  }
  func.func @transform_3(%arg0: i32) -> (i32, i32) {
    %c0_i32 = arith.constant 0 : i32
    %c0_i32_0 = arith.constant 0 : i32
    return %arg0, %c0_i32 : i32, i32
  }
  func.func @transform_4(%arg0: i32) -> (i32, i32) {
    %c0_i32 = arith.constant 0 : i32
    %c0_i32_0 = arith.constant 0 : i32
    return %arg0, %c0_i32 : i32, i32
  }
}

module attributes {stable_mosaic.version = 14 : i64} {
  func.func @_tc2_body(%arg0: i32, %arg1: memref<2x512x128xf32, #tpu.memory_space<vmem>>, %arg2: memref<2x512x128xf32, #tpu.memory_space<vmem>>, %arg3: memref<512x128xf32, #tpu.memory_space<vmem>>, %arg4: memref<1x128xf32, #tpu.memory_space<vmem>>, %arg5: memref<128x128xf32, #tpu.memory_space<vmem>>, %arg6: memref<128x128xf32, #tpu.memory_space<vmem>>, %arg7: memref<512x128xf32, #tpu.memory_space<vmem>>, %arg8: memref<512x128xf32, #tpu.memory_space<vmem>>) attributes {dimension_semantics = [#tpu.dimension_semantics<arbitrary>], iteration_bounds = array<i64: 20>, scalar_prefetch = 0 : i64, scratch_operands = 0 : i64, tpu.core_type = #tpu.core_type<tc>, window_params = [{transform_indices = @transform_0, window_bounds = array<i64: 2, 512, 128>}, {transform_indices = @transform_1, window_bounds = array<i64: 2, 512, 128>}, {transform_indices = @transform_2, window_bounds = array<i64: 512, 128>}, {pipeline_mode = #tpu.pipeline_mode<synchronous>, transform_indices = @transform_3, window_bounds = array<i64: 1, 128>}, {pipeline_mode = #tpu.pipeline_mode<synchronous>, transform_indices = @transform_4, window_bounds = array<i64: 128, 128>}, {pipeline_mode = #tpu.pipeline_mode<synchronous>, transform_indices = @transform_5, window_bounds = array<i64: 128, 128>}, {transform_indices = @transform_6, window_bounds = array<i64: 512, 128>}, {transform_indices = @transform_7, window_bounds = array<i64: 512, 128>}]} {
    %get3A = arith.constant 0 : index
    %get3A_0 = arith.constant 0 : index
    %get3A_1 = arith.constant 0 : index
    %get3A_2 = vector.load %arg2[%get3A, %get3A_0, %get3A_1] : memref<2x512x128xf32, #tpu.memory_space<vmem>>, vector<1x512x128xf32>
    %get3A_3 = vector.shape_cast %get3A_2 : vector<1x512x128xf32> to vector<512x128xf32>
    %get3A_4 = arith.constant 1 : index
    %get3A_5 = arith.constant 0 : index
    %get3A_6 = arith.constant 0 : index
    %get3A_7 = vector.load %arg2[%get3A_4, %get3A_5, %get3A_6] : memref<2x512x128xf32, #tpu.memory_space<vmem>>, vector<1x512x128xf32>
    %get3A_8 = vector.shape_cast %get3A_7 : vector<1x512x128xf32> to vector<512x128xf32>
    %add3A = arith.addf %get3A_3, %get3A_8 : vector<512x128xf32>
    %max3A = arith.constant 1.000000e+00 : f32
    %max3A_9 = vector.broadcast %max3A : f32 to vector<512x128xf32>
    %max3A_10 = arith.maximumf %add3A, %max3A_9 : vector<512x128xf32>
    %get3A_11 = arith.constant 0 : index
    %get3A_12 = arith.constant 0 : index
    %get3A_13 = arith.constant 0 : index
    %get3A_14 = vector.load %arg1[%get3A_11, %get3A_12, %get3A_13] : memref<2x512x128xf32, #tpu.memory_space<vmem>>, vector<1x512x128xf32>
    %get3A_15 = vector.shape_cast %get3A_14 : vector<1x512x128xf32> to vector<512x128xf32>
    %get3A_16 = arith.constant 1 : index
    %get3A_17 = arith.constant 0 : index
    %get3A_18 = arith.constant 0 : index
    %get3A_19 = vector.load %arg1[%get3A_16, %get3A_17, %get3A_18] : memref<2x512x128xf32, #tpu.memory_space<vmem>>, vector<1x512x128xf32>
    %get3A_20 = vector.shape_cast %get3A_19 : vector<1x512x128xf32> to vector<512x128xf32>
    %add3A_21 = arith.addf %get3A_15, %get3A_20 : vector<512x128xf32>
    %div3A = arith.divf %add3A_21, %max3A_10 : vector<512x128xf32>
    %get3A_22 = arith.constant 0 : index
    %get3A_23 = arith.constant 0 : index
    %get3A_24 = vector.load %arg4[%get3A_22, %get3A_23] : memref<1x128xf32, #tpu.memory_space<vmem>>, vector<1x128xf32>
    %add3A_25 = vector.broadcast %get3A_24 : vector<1x128xf32> to vector<512x128xf32>
    %add3A_26 = arith.addf %div3A, %add3A_25 : vector<512x128xf32>
    %get3A_27 = arith.constant 0 : index
    %get3A_28 = arith.constant 0 : index
    %get3A_29 = vector.load %arg3[%get3A_27, %get3A_28] : memref<512x128xf32, #tpu.memory_space<vmem>>, vector<512x128xf32>
    %add3A_30 = arith.addf %add3A_26, %get3A_29 : vector<512x128xf32>
    %max3A_31 = arith.constant 0.000000e+00 : f32
    %max3A_32 = vector.broadcast %max3A_31 : f32 to vector<512x128xf32>
    %max3A_33 = arith.maximumf %add3A_30, %max3A_32 : vector<512x128xf32>
    %get3A_34 = arith.constant 0 : index
    %get3A_35 = arith.constant 0 : index
    %get3A_36 = vector.load %arg5[%get3A_34, %get3A_35] : memref<128x128xf32, #tpu.memory_space<vmem>>, vector<128x128xf32>
    %dot_general3A = arith.constant dense<0.000000e+00> : vector<512x128xf32>
    %dot_general3A_37 = tpu.matmul %max3A_33, %get3A_36, %dot_general3A {dimension_numbers = #tpu.dot_dimension_numbers<[1], [0], [0], [1], [0, 0, 1, 1], [], []>, transpose_lhs_hint = false} : vector<512x128xf32>, vector<128x128xf32>, vector<512x128xf32> -> vector<512x128xf32>
    %swap3A = arith.constant 0 : index
    %swap3A_38 = arith.constant 0 : index
    %swap3A_39 = vector.load %arg7[%swap3A, %swap3A_38] : memref<512x128xf32, #tpu.memory_space<vmem>>, vector<512x128xf32>
    tpu.vector_store %arg7[%swap3A, %swap3A_38], %dot_general3A_37 {strides = array<i32>} : memref<512x128xf32, #tpu.memory_space<vmem>>, vector<512x128xf32>,
    %get3A_40 = arith.constant 0 : index
    %get3A_41 = arith.constant 0 : index
    %get3A_42 = vector.load %arg6[%get3A_40, %get3A_41] : memref<128x128xf32, #tpu.memory_space<vmem>>, vector<128x128xf32>
    %dot_general3A_43 = arith.constant dense<0.000000e+00> : vector<512x128xf32>
    %dot_general3A_44 = tpu.matmul %max3A_33, %get3A_42, %dot_general3A_43 {dimension_numbers = #tpu.dot_dimension_numbers<[1], [0], [0], [1], [0, 0, 1, 1], [], []>, transpose_lhs_hint = false} : vector<512x128xf32>, vector<128x128xf32>, vector<512x128xf32> -> vector<512x128xf32>
    %swap3A_45 = arith.constant 0 : index
    %swap3A_46 = arith.constant 0 : index
    %swap3A_47 = vector.load %arg8[%swap3A_45, %swap3A_46] : memref<512x128xf32, #tpu.memory_space<vmem>>, vector<512x128xf32>
    tpu.vector_store %arg8[%swap3A_45, %swap3A_46], %dot_general3A_44 {strides = array<i32>} : memref<512x128xf32, #tpu.memory_space<vmem>>, vector<512x128xf32>,
    return
  }
  func.func @transform_0(%arg0: i32) -> (i32, i32, i32) {
    %c0_i32 = arith.constant 0 : i32
    %c0_i32_0 = arith.constant 0 : i32
    %c0_i32_1 = arith.constant 0 : i32
    return %c0_i32, %arg0, %c0_i32_0 : i32, i32, i32
  }
  func.func @transform_1(%arg0: i32) -> (i32, i32, i32) {
    %c0_i32 = arith.constant 0 : i32
    %c0_i32_0 = arith.constant 0 : i32
    %c0_i32_1 = arith.constant 0 : i32
    return %c0_i32, %arg0, %c0_i32_0 : i32, i32, i32
  }
  func.func @transform_2(%arg0: i32) -> (i32, i32) {
    %c0_i32 = arith.constant 0 : i32
    %c0_i32_0 = arith.constant 0 : i32
    return %arg0, %c0_i32 : i32, i32
  }
  func.func @transform_3(%arg0: i32) -> (i32, i32) {
    %c0_i32 = arith.constant 0 : i32
    %c0_i32_0 = arith.constant 0 : i32
    %c0_i32_1 = arith.constant 0 : i32
    return %c0_i32, %c0_i32_0 : i32, i32
  }
  func.func @transform_4(%arg0: i32) -> (i32, i32) {
    %c0_i32 = arith.constant 0 : i32
    %c0_i32_0 = arith.constant 0 : i32
    %c0_i32_1 = arith.constant 0 : i32
    return %c0_i32, %c0_i32_0 : i32, i32
  }
  func.func @transform_5(%arg0: i32) -> (i32, i32) {
    %c0_i32 = arith.constant 0 : i32
    %c0_i32_0 = arith.constant 0 : i32
    %c0_i32_1 = arith.constant 0 : i32
    return %c0_i32, %c0_i32_0 : i32, i32
  }
  func.func @transform_6(%arg0: i32) -> (i32, i32) {
    %c0_i32 = arith.constant 0 : i32
    %c0_i32_0 = arith.constant 0 : i32
    return %arg0, %c0_i32 : i32, i32
  }
  func.func @transform_7(%arg0: i32) -> (i32, i32) {
    %c0_i32 = arith.constant 0 : i32
    %c0_i32_0 = arith.constant 0 : i32
    return %arg0, %c0_i32 : i32, i32
  }
}

module attributes {stable_mosaic.version = 14 : i64} {
  func.func @_tc3_body(%arg0: i32, %arg1: memref<2x512x128xf32, #tpu.memory_space<vmem>>, %arg2: memref<2x512x128xf32, #tpu.memory_space<vmem>>, %arg3: memref<512x128xf32, #tpu.memory_space<vmem>>, %arg4: memref<1x128xf32, #tpu.memory_space<vmem>>, %arg5: memref<512x128xf32, #tpu.memory_space<vmem>>) attributes {dimension_semantics = [#tpu.dimension_semantics<arbitrary>], iteration_bounds = array<i64: 20>, scalar_prefetch = 0 : i64, scratch_operands = 0 : i64, tpu.core_type = #tpu.core_type<tc>, window_params = [{transform_indices = @transform_0, window_bounds = array<i64: 2, 512, 128>}, {transform_indices = @transform_1, window_bounds = array<i64: 2, 512, 128>}, {transform_indices = @transform_2, window_bounds = array<i64: 512, 128>}, {pipeline_mode = #tpu.pipeline_mode<synchronous>, transform_indices = @transform_3, window_bounds = array<i64: 1, 128>}, {transform_indices = @transform_4, window_bounds = array<i64: 512, 128>}]} {
    %get3A = arith.constant 0 : index
    %get3A_0 = arith.constant 0 : index
    %get3A_1 = arith.constant 0 : index
    %get3A_2 = vector.load %arg2[%get3A, %get3A_0, %get3A_1] : memref<2x512x128xf32, #tpu.memory_space<vmem>>, vector<1x512x128xf32>
    %get3A_3 = vector.shape_cast %get3A_2 : vector<1x512x128xf32> to vector<512x128xf32>
    %get3A_4 = arith.constant 1 : index
    %get3A_5 = arith.constant 0 : index
    %get3A_6 = arith.constant 0 : index
    %get3A_7 = vector.load %arg2[%get3A_4, %get3A_5, %get3A_6] : memref<2x512x128xf32, #tpu.memory_space<vmem>>, vector<1x512x128xf32>
    %get3A_8 = vector.shape_cast %get3A_7 : vector<1x512x128xf32> to vector<512x128xf32>
    %add3A = arith.addf %get3A_3, %get3A_8 : vector<512x128xf32>
    %max3A = arith.constant 1.000000e+00 : f32
    %max3A_9 = vector.broadcast %max3A : f32 to vector<512x128xf32>
    %max3A_10 = arith.maximumf %add3A, %max3A_9 : vector<512x128xf32>
    %get3A_11 = arith.constant 0 : index
    %get3A_12 = arith.constant 0 : index
    %get3A_13 = arith.constant 0 : index
    %get3A_14 = vector.load %arg1[%get3A_11, %get3A_12, %get3A_13] : memref<2x512x128xf32, #tpu.memory_space<vmem>>, vector<1x512x128xf32>
    %get3A_15 = vector.shape_cast %get3A_14 : vector<1x512x128xf32> to vector<512x128xf32>
    %get3A_16 = arith.constant 1 : index
    %get3A_17 = arith.constant 0 : index
    %get3A_18 = arith.constant 0 : index
    %get3A_19 = vector.load %arg1[%get3A_16, %get3A_17, %get3A_18] : memref<2x512x128xf32, #tpu.memory_space<vmem>>, vector<1x512x128xf32>
    %get3A_20 = vector.shape_cast %get3A_19 : vector<1x512x128xf32> to vector<512x128xf32>
    %add3A_21 = arith.addf %get3A_15, %get3A_20 : vector<512x128xf32>
    %div3A = arith.divf %add3A_21, %max3A_10 : vector<512x128xf32>
    %get3A_22 = arith.constant 0 : index
    %get3A_23 = arith.constant 0 : index
    %get3A_24 = vector.load %arg4[%get3A_22, %get3A_23] : memref<1x128xf32, #tpu.memory_space<vmem>>, vector<1x128xf32>
    %add3A_25 = vector.broadcast %get3A_24 : vector<1x128xf32> to vector<512x128xf32>
    %add3A_26 = arith.addf %div3A, %add3A_25 : vector<512x128xf32>
    %get3A_27 = arith.constant 0 : index
    %get3A_28 = arith.constant 0 : index
    %get3A_29 = vector.load %arg3[%get3A_27, %get3A_28] : memref<512x128xf32, #tpu.memory_space<vmem>>, vector<512x128xf32>
    %add3A_30 = arith.addf %add3A_26, %get3A_29 : vector<512x128xf32>
    %swap3A = arith.constant 0 : index
    %swap3A_31 = arith.constant 0 : index
    %swap3A_32 = vector.load %arg5[%swap3A, %swap3A_31] : memref<512x128xf32, #tpu.memory_space<vmem>>, vector<512x128xf32>
    tpu.vector_store %arg5[%swap3A, %swap3A_31], %add3A_30 {strides = array<i32>} : memref<512x128xf32, #tpu.memory_space<vmem>>, vector<512x128xf32>,
    return
  }
  func.func @transform_0(%arg0: i32) -> (i32, i32, i32) {
    %c0_i32 = arith.constant 0 : i32
    %c0_i32_0 = arith.constant 0 : i32
    %c0_i32_1 = arith.constant 0 : i32
    return %c0_i32, %arg0, %c0_i32_0 : i32, i32, i32
  }
  func.func @transform_1(%arg0: i32) -> (i32, i32, i32) {
    %c0_i32 = arith.constant 0 : i32
    %c0_i32_0 = arith.constant 0 : i32
    %c0_i32_1 = arith.constant 0 : i32
    return %c0_i32, %arg0, %c0_i32_0 : i32, i32, i32
  }
  func.func @transform_2(%arg0: i32) -> (i32, i32) {
    %c0_i32 = arith.constant 0 : i32
    %c0_i32_0 = arith.constant 0 : i32
    return %arg0, %c0_i32 : i32, i32
  }
  func.func @transform_3(%arg0: i32) -> (i32, i32) {
    %c0_i32 = arith.constant 0 : i32
    %c0_i32_0 = arith.constant 0 : i32
    %c0_i32_1 = arith.constant 0 : i32
    return %c0_i32, %c0_i32_0 : i32, i32
  }
  func.func @transform_4(%arg0: i32) -> (i32, i32) {
    %c0_i32 = arith.constant 0 : i32
    %c0_i32_0 = arith.constant 0 : i32
    return %arg0, %c0_i32 : i32, i32
  }
}

</mosaic_0001>

<sc_bundles>
// kernel: kernel.11.cloned.1.call-start
scs
__scs_entry_jumppad:
0x0: {  	(pc) =	sbr.rel $0x88, $3  }
0x1: {  	(tag) =	ssettag $0x0;
	lr =	simm.s32 $0x1  }
0x2: {  	[smem:$0x3F99] =	sst lr;
	_ =	strace $0xD0000000  }
0x3: {  	_ = 	snop  }
0x4: {  	_ = 	snop  }
0x5: {  	_ = 	snop  }
0x6: {  	_ = 	snop  }
0x7: {  	_ = 	snop  }
__scs_overlays_trampoline_lowered:
0x8: {  	[smem:$0x3FA8] =	sst s0  }
0x9: {  	[smem:$0x3FA9] =	sst s1  }
0xa: {  	[smem:$0x3FAA] =	sst s2  }
0xb: {  	[smem:$0x3FAB] =	sst s3  }
0xc: {  	[smem:$0x3FAC] =	sst s4  }
0xd: {  	[smem:$0x3FAD] =	sst s5  }
0xe: {  	[smem:$0x3FAE] =	sst s6  }
0xf: {  	[smem:$0x3FAF] =	sst s7  }
0x10: {  	[smem:$0x3FB0] =	sst s8  }
0x11: {  	[smem:$0x3FB1] =	sst s9;
	s0 =	simm.s32 @!p0 $0x0  }
0x12: {  	s1 =	sld [smem:$0x3F97];
	s0 =	simm.s32 @p0 $0x1  }
0x13: {  	[smem:$0x3FB2] =	sst s0;
	s0 =	simm.s32 @!p1 $0x0  }
0x14: {  	s2 =	sld [smem:$0x3F96];
	s0 =	simm.s32 @p1 $0x1  }
0x15: {  	[smem:$0x3FB3] =	sst s0;
	s0 =	simm.s32 @!p2 $0x0  }
0x16: {  	s3 =	sld [smem:$0x3FDB];
	s0 =	simm.s32 @p2 $0x1  }
0x17: {  	s4 =	simm.s32 $0x1BF5;
	[smem:$0x3FB5] =	sst s0  }
0x18: {  	s0 =	sld [smem:$0x3F98];
	_ =	swait.ge [sflag:s4], $0x0  }
0x19: {  	s7 =	sld [smem:$0x3F99]  }
0x1a: {  	s8 =	sadd.s32 $0xFFFFE003, lr  }
0x1b: {  	s9 =	sadd.s32 $0xFFFFFEF7, lr;
	s5 =	simm.s32 $0xFFFFFFFF;
	p2 =	slt.u32 s8, $0xFFFFF086  }
0x1c: {  	p1 =	slt.u32 s9, $0xF7A;
	s5 =	simm.s32 @!p2 $0x0  }
0x1d: {  	s5 =	simm.s32 @p1 $0x1;
	p0 =	seq.s32 s7, s2  }
0x1e: {  	s7 =	smul.u32 @!p0 $0xF7A, s2;
	p2 =	seq.s32 @!p0 s5, $0x0  }
0x1f: {  	s9 =	smul.u32 $0xF7A, s1;
	s8 =	simm.s32 @!p0 $0x1BF5;
	p2 =	por !p2, p0  }
0x20: {  	[sflag:s8] =	ssyncset.s32 @!p0 $0xFFFFF086;
	s6 =	sadd.s32 @!p0 s3, s7;
	s7 =	simm.s32 @!p0 $0x108  }
0x21: {  	s3 =	sadd.s32 s3, s9;
	s6 =	sadd.s32 @!p0 $0x88, s6;
	s7 =	simm.s32 @p2 $0x1082  }
0x22: {  	[simem:s7], [sflag:s8] =	dma.local @!p0 [hbm:s6], $0xF7A  }
0x23: {  	s9 =	sor.u32 $0xD0000000, s2;
	s6 =	simm.s32 $0x108;
	_ =	swait.ge @!p0 [sflag:s8], $0x0  }
0x24: {  	s3 =	sadd.s32 $0x88, s3;
	s6 =	simm.s32 @!p1 $0x1082;
	[sflag:s4] =	ssyncset.s32 $0xFFFFF086  }
0x25: {  	[simem:s6], [sflag:s4] =	dma.local [hbm:s3], $0xF7A  }
0x26: {  	[smem:$0x3F99] =	sst s1;
	(tag) =	ssettag s2;
	_ =	strace s9  }
0x27: {  	s1 =	sld [smem:$0x3FA9]  }
0x28: {  	s2 =	sld [smem:$0x3FAA]  }
0x29: {  	s4 =	sld [smem:$0x3FAC]  }
0x2a: {  	p0 =	seq.s32 s5, $0x0;
	s5 =	sld [smem:$0x3FAD]  }
0x2b: {  	s6 =	sld [smem:$0x3FAE]  }
0x2c: {  	s7 =	sld [smem:$0x3FAF]  }
0x2d: {  	s3 =	simm.s32 $0x108;
	s8 =	sld [smem:$0x3FB0]  }
0x2e: {  	s3 =	simm.s32 @!p0 $0x1082;
	s9 =	sld [smem:$0x3FB1]  }
0x2f: {  	lr =	sadd.s32 s0, s3;
	s0 =	sld [smem:$0x3FA8]  }
0x30: {  	s3 =	sld [smem:$0x3FAB]  }
0x31: {  	[smem:$0x3FB4] =	sst s10  }
0x32: {  	s10 =	sld [smem:$0x3FB2];
	_ =	sdelay $0x3  }
0x33: {  	p0 =	seq.s32 s10, $0x1;
	s10 =	sld [smem:$0x3FB4];
	_ =	sdelay $0x3  }
0x34: {  	[smem:$0x3FB4] =	sst s10  }
0x35: {  	s10 =	sld [smem:$0x3FB3];
	_ =	sdelay $0x3  }
0x36: {  	p1 =	seq.s32 s10, $0x1;
	s10 =	sld [smem:$0x3FB4];
	_ =	sdelay $0x3  }
0x37: {  	[smem:$0x3FB4] =	sst s10  }
0x38: {  	s10 =	sld [smem:$0x3FB5]  }
0x39: {  	_ = 	snop;
	(pc) =	sbr.ind lr, $3  }
0x3a: {  	_ = 	snop  }
0x3b: {  	_ = 	snop  }
0x3c: {  	p2 =	seq.s32 s10, $0x1;
	s10 =	sld [smem:$0x3FB4]  }
0x3d: {  	_ =	shalt  }
0x3e: {  	_ =	shalt  }
0x3f: {  	_ =	shalt  }
0x40: {  	_ =	shalt  }
0x41: {  	_ =	shalt  }
0x42: {  	_ =	shalt  }
0x43: {  	_ =	shalt  }
0x44: {  	_ =	shalt  }
0x45: {  	_ =	shalt  }
0x46: {  	_ =	shalt  }
0x47: {  	_ =	shalt  }
0x48: {  	_ =	shalt  }
0x49: {  	_ =	shalt  }
0x4a: {  	_ =	shalt  }
0x4b: {  	_ =	shalt  }
0x4c: {  	_ =	shalt  }
0x4d: {  	_ =	shalt  }
0x4e: {  	_ =	shalt  }
0x4f: {  	_ =	shalt  }
0x50: {  	_ =	shalt  }
0x51: {  	_ =	shalt  }
0x52: {  	_ =	shalt  }
0x53: {  	_ =	shalt  }
0x54: {  	_ =	shalt  }
0x55: {  	_ =	shalt  }
0x56: {  	_ =	shalt  }
0x57: {  	_ =	shalt  }
0x58: {  	_ =	shalt  }
0x59: {  	_ =	shalt  }
0x5a: {  	_ =	shalt  }
0x5b: {  	_ =	shalt  }
0x5c: {  	_ =	shalt  }
0x5d: {  	_ =	shalt  }
0x5e: {  	_ =	shalt  }
0x5f: {  	_ =	shalt  }
0x60: {  	_ =	shalt  }
0x61: {  	_ =	shalt  }
0x62: {  	_ =	shalt  }
0x63: {  	_ =	shalt  }
0x64: {  	_ =	shalt  }
0x65: {  	_ =	shalt  }
0x66: {  	_ =	shalt  }
0x67: {  	_ =	shalt  }
0x68: {  	_ =	shalt  }
0x69: {  	_ =	shalt  }
0x6a: {  	_ =	shalt  }
0x6b: {  	_ =	shalt  }
0x6c: {  	_ =	shalt  }
0x6d: {  	_ =	shalt  }
0x6e: {  	_ =	shalt  }
0x6f: {  	_ =	shalt  }
0x70: {  	_ =	shalt  }
0x71: {  	_ =	shalt  }
0x72: {  	_ =	shalt  }
0x73: {  	_ =	shalt  }
0x74: {  	_ =	shalt  }
0x75: {  	_ =	shalt  }
0x76: {  	_ =	shalt  }
0x77: {  	_ =	shalt  }
0x78: {  	_ =	shalt  }
0x79: {  	_ =	shalt  }
0x7a: {  	_ =	shalt  }
0x7b: {  	_ =	shalt  }
0x7c: {  	_ =	shalt  }
0x7d: {  	_ =	shalt  }
0x7e: {  	_ =	shalt  }
0x7f: {  	_ =	shalt  }
0x80: {  	_ =	shalt  }
0x81: {  	_ =	shalt  }
0x82: {  	_ =	shalt  }
0x83: {  	_ =	shalt  }
0x84: {  	_ =	shalt  }
0x85: {  	_ =	shalt  }
0x86: {  	_ =	shalt  }
0x87: {  	_ =	shalt  }
.Lfunc_end0:
.L_simem_size_0:
called_computation.1_lowered:
.L_overlay_start_0:
0x88: {  	s2 =	sld [smem:$0x3FD9]  }
0x89: {  	s3 =	sld [smem:$0x3FFE];
	_ =	sdelay $0x1  }
0x8a: {  	s1 =	srdreg.scid  }
0x8b: {  	s0 =	sand.u32 $0x1, s1  }
0x8c: {  	s17 =	sshll.u32 s0, $0xA;
	s2 =	sadd.s32 s3, s2  }
0x8d: {  	s2 =	sadd.s32 s2, s17  }
0x8e: {  	[smem:$0x3FC0] =	sst s2  }
0x8f: {  	_ = 	snop  }
0x90: {  	s2 =	sld [smem:$0x3FD0];
	(tm) =	ssettm $0x1  }
0x91: {  	s18 =	sld [smem:$0x3FFB];
	_ =	sdelay $0x3  }
0x92: {  	_ =	strace s18  }
0x93: {  	s3 =	sld [smem:$0x3FFC];
	_ =	sdelay $0x3  }
0x94: {  	_ =	strace s3  }
0x95: {  	s3 =	sld [smem:$0x3FFD];
	_ =	sdelay $0x3  }
0x96: {  	_ =	strace s3  }
0x97: {  	_ =	strace $0x8FFFFFFF  }
0x98: {  	s19 =	sld [smem:$0x3FDB];
	_ =	sdelay $0x1  }
0x99: {  	s4 =	simm.s32 $_scs_section_size  }
0x9a: {  	s5 =	simm.s32 $_size__tile_overlayer_lowered;
	s6 =	simm.s32 $_tile_overlayer_lowered  }
0x9b: {  	s22 =	simm.s32 $0x1BFF;
	s21 =	sshll.u32 s6, $0x1;
	s3 =	sadd.s32 s4, s19  }
0x9c: {  	s7 =	simm.s32 $0x0;
	s20 =	sshll.u32 s5, $0x1;
	s5 =	sadd.s32 s21, s3  }
0x9d: {  	[timem:s7], [sflag:s22] =	dma.local [hbm:s5], s20  }
0x9e: {  	_ =	swait.ge [sflag:s22], s20  }
0x9f: {  	s4 =	ssub.s32 $0x0, s20;
	[sflag:s22] =	ssyncset.done $0x0  }
0xa0: {  	[sflag:s22] =	ssyncadd.s32 s4;
	_ =	sdelay $0x1  }
0xa1: {  	s23 =	simm.s32 $0x1B8B  }
0xa2: {  	_ =	swait.ge [sflag:s23], $0x1  }
0xa3: {  	[sflag:s23] =	ssyncset.done $0x0  }
0xa4: {  	s25 =	simm.s32 $0x1B8E;
	s24 =	sld [smem:$0x3FFE];
	[sflag:s23] =	ssyncadd.s32 $0xFFFFFFFF  }
0xa5: {  	s26 =	simm.s32 $execute0_lowered;
	[smem:$0x3FD2] =	sst s25  }
0xa6: {  	s5 =	sshll.u32 s26, $0x1;
	_ =	strace $0x80000046;
	[dreg:$0x1] =	wrdreg $0xFFFFFFFF  }
0xa7: {  	s28 =	simm.s32 $_size_execute0_lowered;
	s3 =	sadd.s32 s3, s5;
	[dreg:$0x0] =	wrdreg $0x0  }
0xa8: {  	s5 =	sshll.u32 s28, $0x1;
	[dreg:$0x2] =	wrdreg s3  }
0xa9: {  	[dreg:$0x3] =	wrdreg s5  }
0xaa: {  	[dreg:$0x4] =	wrdreg $0xC0  }
0xab: {  	_ =	task [dreg:s7], $0x5FFFF  }
0xac: {  	[dreg:$0x1] =	wrdreg $0xFFFFFFFF  }
0xad: {  	[dreg:$0x0] =	wrdreg $0x60  }
0xae: {  	[dreg:$0x2] =	wrdreg s24  }
0xaf: {  	[dreg:$0x3] =	wrdreg s2  }
0xb0: {  	[dreg:$0x4] =	wrdreg $0x82000  }
0xb1: {  	[dreg:$0x5] =	wrdreg $0xA  }
0xb2: {  	_ =	task.clear_ibuf [dreg:s7], $0x6FFFF;
	_ =	strace $0x90000046  }
0xb3: {  	s29 =	simm.s32 $0xA;
	_ =	strace $0x80000048  }
0xb4: {  	_ =	swait.ge [sflag:s29], $0x1  }
0xb5: {  	[sflag:s29] =	ssyncadd.s32 $0xFFFFFFFF  }
0xb6: {  	_ =	strace $0x90000048  }
0xb7: {  	_ =	sfence  }
0xb8: {  	s30 =	sld [smem:$0x0];
	_ =	sdelay $0x2  }
0xb9: {  	s31 =	sshll.u32 s1, $0xD;
	s1 =	sshrl.u32 s1, $0x2  }
0xba: {  	s3 =	sand.u32 $0x4000, s31;
	s1 =	sadd.s32 s1, s30  }
0xbb: {  	s0 =	sor.u32 s3, s0;
	s1 =	sshll.u32 s1, $0x11  }
0xbc: {  	s0 =	sor.u32 s1, s0  }
0xbd: {  	s0 =	sadd.s32 $0x8F2B, s0  }
0xbe: {  	[sflag:s0] =	ssyncadd.remote.s32 $0x1  }
0xbf: {  	_ =	sfence.sel $0xFFFF  }
0xc0: {  	[dreg:$0x0] =	wrdreg $0xFFFFFFFF;
	(pc) =	sbr.abs _section_cstart, $3  }
0xc1: {  	[dreg:$0x1] =	wrdreg $0xFFFFFFFF  }
0xc2: {  	_ =	task.clear_ibuf [dreg:s7], $0x2FFFF;
	_ =	strace $0x9FFFFFFF  }
0xc3: {  	(tm) =	ssettm $0x7FFFFFFF  }
tec
execute0_lowered:
.L_overlay_start_1:
0x0: {  	(tag) =	ssettag $0x1  }
0x1: {  	s5 =	rddreg [dreg:$0x0]  }
0x2: {  	s9 =	rddreg [dreg:$0x1]  }
0x3: {  	s2 =	rddreg [dreg:$0x2]  }
0x4: {  	s0 =	rddreg [dreg:$0x3]  }
0x5: {  	s1 =	stileid.u32;
	s4 =	srdreg.scid;
	s3 =	simm.s32 $0x0  }
0x6: {  	s15 =	simm.s32 $0x80;
	s16 =	simm.s32 $0x200;
	s17 =	simm.s32 $0x100  }
0x7: {  	s18 =	simm.s32 $0x4200;
	s19 =	simm.s32 $0x1;
	s20 =	simm.s32 $0x2  }
0x8: {  	s21 =	simm.s32 $0x180;
	s22 =	simm.s32 $0x3;
	s6 =	smul.u32 $0x14000, s1  }
0x9: {  	s23 =	simm.s32 $0x4;
	s24 =	simm.s32 $0x0;
	s11 =	smul.u32 $0x1C, s1  }
0xa: {  	s7 =	sand.u32 $0x1, s4;
	[smem:$0x7FF] =	sst s3;
	s29 =	smul.u32 $0x50000, s1  }
0xb: {  	s4 =	sadd.s32 $0x2200, s5;
	s30 =	sshll.u32 s1, $0x6;
	s8 =	smul.u32 $0x140000, s7  }
0xc: {  	_ =	strace $0x80000047;
	s26 =	ssub.s32 $0x2, s7;
	p0 =	seq.s32 s7, $0x0  }
0xd: {  	s7 =	smul.u32 $0x84, s1;
	s10 =	sshrl.u32 s6, $0x3;
	s28 =	sshrl.u32 s26, $0x1  }
0xe: {  	s10 =	sadd.s32 s10, s5;
	s6 =	sadd.s32 s6, s8;
	s8 =	sadd.s32 $0x840, s11  }
0xf: {  	s13 =	ssub.s32 s26, s28;
	s6 =	sshrl.u32 s6, $0x3;
	s8 =	smov.u32 @p0 s7  }
0x10: {  	s7 =	sor.u32 $0x1C05, s30;
	s12 =	sadd.s32 s6, s5;
	s5 =	simm.s32 $0x41  }
0x11: {  	s6 =	sshrl.u32 s29, $0x2;
	s31 =	sshll.u32 s8, $0x5;
	s5 =	simm.s32 @!p0 $0xD  }
0x12: {  	s14 =	sadd.s32 s6, s2;
	s6 =	sadd.s32 $0x2A200, s10;
	s9 =	sadd.s32 s9, s31  }
0x13: {  	s8 =	sadd.s32 $0x52200, s12;
	s10 =	smax.u32 s13, $0x1;
	s11 =	sadd.s32 $0x20, s9  }
0x14: {  	s12 =	sadd.s32 $0x40, s9;
	s13 =	sshrl.u32 s14, $0x3;
	s14 =	simm.s32 $0x5  }
.LBB2_1:
0x15: {  	[spmem:s13], [sflag:s7] =	dma.local [hbm:s6], $0x2800  }
0x16: {  	_ =	swait.ge [sflag:s14], $0x2800  }
0x17: {  	[sflag:s14] =	ssyncset.done $0x0  }
0x18: {  	[sflag:s14] =	ssyncadd.s32 $0xFFFFD800  }
0x19: {  	[bflag:$0x0] =	sbarrier.arrive $0xFFFF  }
0x1a: {  	[tilespmem:s3], [sflag:$0x5] =	stream.linear.gather [hbm4b:s9+s3], $0x100, $0x38;
	[tilespmem:$0x1C200] =	vst v63  }
0x1b: {  	_ =	swait.ge [sflag:s14], $0x100  }
0x1c: {  	[sflag:s14] =	ssyncset.done $0x0  }
0x1d: {  	[sflag:s14] =	ssyncadd.s32 $0xFFFFFF00  }
0x1e: {  	[tilespmem:s16], [sflag:$0x1] =	stream.indirect.gather [hbm4b:s4+s15], $0x80, s3, s15, $0xb8;
	[tilespmem:$0x1C200] =	vst v63  }
0x1f: {  	_ = 	snop  }
0x20: {  	[tilespmem:s17], [sflag:$0x5] =	stream.linear.gather [hbm4b:s11+s3], $0x100, $0x38;
	[tilespmem:$0x1C200] =	vst v63  }
0x21: {  	_ =	swait.ge [sflag:s14], $0x100  }
0x22: {  	[sflag:s14] =	ssyncset.done $0x0  }
0x23: {  	[sflag:s14] =	ssyncadd.s32 $0xFFFFFF00  }
0x24: {  	[tilespmem:s18], [sflag:$0x2] =	stream.indirect.gather [hbm4b:s4+s15], $0x80, s17, s15, $0xb8;
	[tilespmem:$0x1C200] =	vst v63  }
0x25: {  	_ =	swait.ge [sflag:s19], $0x4000  }
0x26: {  	[sflag:s19] =	ssyncset.done $0x0  }
0x27: {  	[sflag:s19] =	ssyncadd.s32 $0xFFFFC000  }
0x28: {  	[spmem:s2] =	stream.indirect.scatter.add.f32 [tilespmem:s16], [sflag:$0x3], $0x80, s15, s15, $0xb8;
	[tilespmem:$0x1C200] =	vst v63  }
0x29: {  	_ =	swait.ge [sflag:s20], $0x4000  }
0x2a: {  	[sflag:s20] =	ssyncset.done $0x0  }
0x2b: {  	[sflag:s20] =	ssyncadd.s32 $0xFFFFC000  }
0x2c: {  	[spmem:s2] =	stream.indirect.scatter.add.f32 [tilespmem:s18], [sflag:$0x4], $0x80, s21, s15, $0xb8;
	[tilespmem:$0x1C200] =	vst v63  }
0x2d: {  	_ =	swait.ge [sflag:s22], $0x4000  }
0x2e: {  	[sflag:s22] =	ssyncset.done $0x0  }
0x2f: {  	[sflag:s22] =	ssyncadd.s32 $0xFFFFC000  }
0x30: {  	_ =	swait.ge [sflag:s23], $0x4000  }
0x31: {  	[sflag:s23] =	ssyncset.done $0x0  }
0x32: {  	[sflag:s23] =	ssyncadd.s32 $0xFFFFC000  }
0x33: {  	[tilespmem:s3], [sflag:$0x5] =	stream.linear.gather [hbm4b:s12+s3], $0x100, $0x38;
	[tilespmem:$0x1C200] =	vst v63  }
0x34: {  	_ =	swait.ge [sflag:s14], $0x100  }
0x35: {  	[sflag:s14] =	ssyncset.done $0x0  }
0x36: {  	[sflag:s14] =	ssyncadd.s32 $0xFFFFFF00  }
0x37: {  	[tilespmem:s16], [sflag:$0x1] =	stream.indirect.gather [hbm4b:s4+s15], $0x80, s3, s15, $0xb8;
	[tilespmem:$0x1C200] =	vst v63  }
0x38: {  	s25 =	sadd.s32 $0x20, s12  }
0x39: {  	[tilespmem:s17], [sflag:$0x5] =	stream.linear.gather [hbm4b:s25+s3], $0x100, $0x38;
	[tilespmem:$0x1C200] =	vst v63  }
0x3a: {  	_ =	swait.ge [sflag:s14], $0x100  }
0x3b: {  	[sflag:s14] =	ssyncset.done $0x0  }
0x3c: {  	[sflag:s14] =	ssyncadd.s32 $0xFFFFFF00  }
0x3d: {  	[tilespmem:s18], [sflag:$0x2] =	stream.indirect.gather [hbm4b:s4+s15], $0x80, s17, s15, $0xb8;
	[tilespmem:$0x1C200] =	vst v63  }
0x3e: {  	_ =	swait.ge [sflag:s19], $0x4000  }
0x3f: {  	p0 =	sne.s32 s5, $0x1;
	[sflag:s19] =	ssyncset.done $0x0  }
.Ltmp0:
0x40: {  	[sflag:s19] =	ssyncadd.s32 $0xFFFFC000;
	(pc) =	sbr.rel @!p0 .LBB2_3-.Ltmp0, $4  }
0x41: {  	[spmem:s2] =	stream.indirect.scatter.add.f32 [tilespmem:s16], [sflag:$0x3], $0x80, s15, s15, $0xb8;
	[tilespmem:$0x1C200] =	vst v63  }
0x42: {  	_ =	swait.ge [sflag:s20], $0x4000  }
0x43: {  	[sflag:s20] =	ssyncset.done $0x0  }
0x44: {  	s26 =	sadd.s32 $0x40, s12;
	s25 =	sadd.s32 $0xFFFFFFFF, s5;
	[sflag:s20] =	ssyncadd.s32 $0xFFFFC000  }
.LBB2_2:
0x45: {  	[spmem:s2] =	stream.indirect.scatter.add.f32 [tilespmem:s18], [sflag:$0x4], $0x80, s21, s15, $0xb8;
	[tilespmem:$0x1C200] =	vst v63  }
0x46: {  	p0 =	sne.s32 s25, $0x1;
	s25 =	sadd.s32 $0xFFFFFFFF, s25;
	_ =	swait.ge [sflag:s22], $0x4000  }
0x47: {  	[sflag:s22] =	ssyncset.done $0x0  }
0x48: {  	[sflag:s22] =	ssyncadd.s32 $0xFFFFC000  }
0x49: {  	_ =	swait.ge [sflag:s23], $0x4000  }
0x4a: {  	[sflag:s23] =	ssyncset.done $0x0  }
0x4b: {  	[sflag:s23] =	ssyncadd.s32 $0xFFFFC000  }
0x4c: {  	[tilespmem:s3], [sflag:$0x5] =	stream.linear.gather [hbm4b:s26+s3], $0x100, $0x38;
	[tilespmem:$0x1C200] =	vst v63  }
0x4d: {  	_ =	swait.ge [sflag:s14], $0x100  }
0x4e: {  	[sflag:s14] =	ssyncset.done $0x0  }
0x4f: {  	[sflag:s14] =	ssyncadd.s32 $0xFFFFFF00  }
0x50: {  	[tilespmem:s16], [sflag:$0x1] =	stream.indirect.gather [hbm4b:s4+s15], $0x80, s3, s15, $0xb8;
	[tilespmem:$0x1C200] =	vst v63  }
0x51: {  	s28 =	sadd.s32 $0x20, s26  }
0x52: {  	[tilespmem:s17], [sflag:$0x5] =	stream.linear.gather [hbm4b:s28+s3], $0x100, $0x38;
	[tilespmem:$0x1C200] =	vst v63  }
0x53: {  	_ =	swait.ge [sflag:s14], $0x100  }
0x54: {  	[sflag:s14] =	ssyncset.done $0x0  }
0x55: {  	[sflag:s14] =	ssyncadd.s32 $0xFFFFFF00  }
0x56: {  	[tilespmem:s18], [sflag:$0x2] =	stream.indirect.gather [hbm4b:s4+s15], $0x80, s17, s15, $0xb8;
	[tilespmem:$0x1C200] =	vst v63  }
0x57: {  	_ =	swait.ge [sflag:s19], $0x4000  }
0x58: {  	[sflag:s19] =	ssyncset.done $0x0  }
.Ltmp1:
0x59: {  	[sflag:s19] =	ssyncadd.s32 $0xFFFFC000;
	(pc) =	sbr.rel @p0 .LBB2_2-.Ltmp1, $4  }
0x5a: {  	[spmem:s2] =	stream.indirect.scatter.add.f32 [tilespmem:s16], [sflag:$0x3], $0x80, s15, s15, $0xb8;
	[tilespmem:$0x1C200] =	vst v63  }
0x5b: {  	_ =	swait.ge [sflag:s20], $0x4000  }
0x5c: {  	[sflag:s20] =	ssyncset.done $0x0  }
0x5d: {  	s26 =	sadd.s32 $0x40, s26;
	[sflag:s20] =	ssyncadd.s32 $0xFFFFC000  }
.LBB2_3:
0x5e: {  	[spmem:s2] =	stream.indirect.scatter.add.f32 [tilespmem:s18], [sflag:$0x4], $0x80, s21, s15, $0xb8;
	[tilespmem:$0x1C200] =	vst v63  }
0x5f: {  	_ =	swait.ge [sflag:s22], $0x4000  }
0x60: {  	[sflag:s22] =	ssyncset.done $0x0  }
0x61: {  	[sflag:s22] =	ssyncadd.s32 $0xFFFFC000  }
0x62: {  	_ =	swait.ge [sflag:s23], $0x4000  }
0x63: {  	s24 =	sadd.s32 $0x1, s24;
	[sflag:s23] =	ssyncset.done $0x0  }
0x64: {  	p0 =	sne.s32 s24, s10;
	[sflag:s23] =	ssyncadd.s32 $0xFFFFC000  }
.Ltmp2:
0x65: {  	[bflag:$0x0] =	sbarrier.arrive $0xFFFF;
	(pc) =	sbr.rel @p0 .LBB2_1-.Ltmp2, $4  }
0x66: {  	[hbm:s8], [sflag:s7] =	dma.local [spmem:s13], $0x2800  }
0x67: {  	_ =	swait.ge [sflag:s14], $0x2800  }
0x68: {  	[sflag:s14] =	ssyncset.done $0x0  }
0x69: {  	[sflag:s14] =	ssyncadd.s32 $0xFFFFD800  }
0x6a: {  	_ =	sfence.sel $0x180000  }
0x6b: {  	[bflag:$0x0] =	sbarrier.arrive $0xFFFF  }
0x6c: {  	p0 =	sne.s32 s1, $0x0;
	_ =	strace $0x90000047  }
0x6d: {  	s0 =	sadd.s32 @!p0 $0x100000, s0;
	[bflag:$0x2] =	sbarrier.arrive $0xFFFF  }
0x6e: {  	[sflag:s0] =	ssyncadd.tile.s32 @!p0 $0x1;
	_ =	shalt  }
.Lfunc_end2:
_tile_overlayer_lowered:
.L_overlay_start_2:
0x6f: {  	(tag) =	ssettag $0x2  }
0x70: {  	s0 =	rddreg [dreg:$0x0];
	s2 =	stileid.u32  }
0x71: {  	s1 =	rddreg [dreg:$0x1];
	p0 =	sne.s32 s2, $0x0  }
0x72: {  	s3 =	rddreg [dreg:$0x2];
	[bflag:$0x3] =	sbarrier.arrive $0xFFFF;
	s2 =	simm.s32 @!p0 $0x1C05  }
0x73: {  	[timem:s3], [sflag:s2] =	dma.local @!p0 [hbm:s0], s1  }
0x74: {  	s0 =	simm.s32 @!p0 $0x5  }
0x75: {  	_ =	swait.ge @!p0 [sflag:s0], s1  }
0x76: {  	s1 =	ssub.s32 @!p0 $0x0, s1;
	[sflag:s0] =	ssyncset.done @!p0 $0x0  }
0x77: {  	[sflag:s0] =	ssyncadd.s32 @!p0 s1  }
0x78: {  	[bflag:$0x3] =	sbarrier.arrive $0xFFFF  }
0x79: {  	_ =	shalt  }

// kernel: kernel.14.cloned.1.call-start
scs
__scs_entry_jumppad:
0x0: {  	(pc) =	sbr.rel $0x88, $3  }
0x1: {  	(tag) =	ssettag $0x0;
	lr =	simm.s32 $0x1  }
0x2: {  	[smem:$0x3F99] =	sst lr;
	_ =	strace $0xD0000000  }
0x3: {  	_ = 	snop  }
0x4: {  	_ = 	snop  }
0x5: {  	_ = 	snop  }
0x6: {  	_ = 	snop  }
0x7: {  	_ = 	snop  }
__scs_overlays_trampoline_lowered:
0x8: {  	[smem:$0x3FA8] =	sst s0  }
0x9: {  	[smem:$0x3FA9] =	sst s1  }
0xa: {  	[smem:$0x3FAA] =	sst s2  }
0xb: {  	[smem:$0x3FAB] =	sst s3  }
0xc: {  	[smem:$0x3FAC] =	sst s4  }
0xd: {  	[smem:$0x3FAD] =	sst s5  }
0xe: {  	[smem:$0x3FAE] =	sst s6  }
0xf: {  	[smem:$0x3FAF] =	sst s7  }
0x10: {  	[smem:$0x3FB0] =	sst s8  }
0x11: {  	[smem:$0x3FB1] =	sst s9;
	s0 =	simm.s32 @!p0 $0x0  }
0x12: {  	s1 =	sld [smem:$0x3F97];
	s0 =	simm.s32 @p0 $0x1  }
0x13: {  	[smem:$0x3FB2] =	sst s0;
	s0 =	simm.s32 @!p1 $0x0  }
0x14: {  	s2 =	sld [smem:$0x3F96];
	s0 =	simm.s32 @p1 $0x1  }
0x15: {  	[smem:$0x3FB3] =	sst s0;
	s0 =	simm.s32 @!p2 $0x0  }
0x16: {  	s3 =	sld [smem:$0x3FDB];
	s0 =	simm.s32 @p2 $0x1  }
0x17: {  	s4 =	simm.s32 $0x1BF5;
	[smem:$0x3FB5] =	sst s0  }
0x18: {  	s0 =	sld [smem:$0x3F98];
	_ =	swait.ge [sflag:s4], $0x0  }
0x19: {  	s7 =	sld [smem:$0x3F99]  }
0x1a: {  	s8 =	sadd.s32 $0xFFFFE003, lr  }
0x1b: {  	s9 =	sadd.s32 $0xFFFFFEF7, lr;
	s5 =	simm.s32 $0xFFFFFFFF;
	p2 =	slt.u32 s8, $0xFFFFF086  }
0x1c: {  	p1 =	slt.u32 s9, $0xF7A;
	s5 =	simm.s32 @!p2 $0x0  }
0x1d: {  	s5 =	simm.s32 @p1 $0x1;
	p0 =	seq.s32 s7, s2  }
0x1e: {  	s7 =	smul.u32 @!p0 $0xF7A, s2;
	p2 =	seq.s32 @!p0 s5, $0x0  }
0x1f: {  	s9 =	smul.u32 $0xF7A, s1;
	s8 =	simm.s32 @!p0 $0x1BF5;
	p2 =	por !p2, p0  }
0x20: {  	[sflag:s8] =	ssyncset.s32 @!p0 $0xFFFFF086;
	s6 =	sadd.s32 @!p0 s3, s7;
	s7 =	simm.s32 @!p0 $0x108  }
0x21: {  	s3 =	sadd.s32 s3, s9;
	s6 =	sadd.s32 @!p0 $0x88, s6;
	s7 =	simm.s32 @p2 $0x1082  }
0x22: {  	[simem:s7], [sflag:s8] =	dma.local @!p0 [hbm:s6], $0xF7A  }
0x23: {  	s9 =	sor.u32 $0xD0000000, s2;
	s6 =	simm.s32 $0x108;
	_ =	swait.ge @!p0 [sflag:s8], $0x0  }
0x24: {  	s3 =	sadd.s32 $0x88, s3;
	s6 =	simm.s32 @!p1 $0x1082;
	[sflag:s4] =	ssyncset.s32 $0xFFFFF086  }
0x25: {  	[simem:s6], [sflag:s4] =	dma.local [hbm:s3], $0xF7A  }
0x26: {  	[smem:$0x3F99] =	sst s1;
	(tag) =	ssettag s2;
	_ =	strace s9  }
0x27: {  	s1 =	sld [smem:$0x3FA9]  }
0x28: {  	s2 =	sld [smem:$0x3FAA]  }
0x29: {  	s4 =	sld [smem:$0x3FAC]  }
0x2a: {  	p0 =	seq.s32 s5, $0x0;
	s5 =	sld [smem:$0x3FAD]  }
0x2b: {  	s6 =	sld [smem:$0x3FAE]  }
0x2c: {  	s7 =	sld [smem:$0x3FAF]  }
0x2d: {  	s3 =	simm.s32 $0x108;
	s8 =	sld [smem:$0x3FB0]  }
0x2e: {  	s3 =	simm.s32 @!p0 $0x1082;
	s9 =	sld [smem:$0x3FB1]  }
0x2f: {  	lr =	sadd.s32 s0, s3;
	s0 =	sld [smem:$0x3FA8]  }
0x30: {  	s3 =	sld [smem:$0x3FAB]  }
0x31: {  	[smem:$0x3FB4] =	sst s10  }
0x32: {  	s10 =	sld [smem:$0x3FB2];
	_ =	sdelay $0x3  }
0x33: {  	p0 =	seq.s32 s10, $0x1;
	s10 =	sld [smem:$0x3FB4];
	_ =	sdelay $0x3  }
0x34: {  	[smem:$0x3FB4] =	sst s10  }
0x35: {  	s10 =	sld [smem:$0x3FB3];
	_ =	sdelay $0x3  }
0x36: {  	p1 =	seq.s32 s10, $0x1;
	s10 =	sld [smem:$0x3FB4];
	_ =	sdelay $0x3  }
0x37: {  	[smem:$0x3FB4] =	sst s10  }
0x38: {  	s10 =	sld [smem:$0x3FB5]  }
0x39: {  	_ = 	snop;
	(pc) =	sbr.ind lr, $3  }
0x3a: {  	_ = 	snop  }
0x3b: {  	_ = 	snop  }
0x3c: {  	p2 =	seq.s32 s10, $0x1;
	s10 =	sld [smem:$0x3FB4]  }
0x3d: {  	_ =	shalt  }
0x3e: {  	_ =	shalt  }
0x3f: {  	_ =	shalt  }
0x40: {  	_ =	shalt  }
0x41: {  	_ =	shalt  }
0x42: {  	_ =	shalt  }
0x43: {  	_ =	shalt  }
0x44: {  	_ =	shalt  }
0x45: {  	_ =	shalt  }
0x46: {  	_ =	shalt  }
0x47: {  	_ =	shalt  }
0x48: {  	_ =	shalt  }
0x49: {  	_ =	shalt  }
0x4a: {  	_ =	shalt  }
0x4b: {  	_ =	shalt  }
0x4c: {  	_ =	shalt  }
0x4d: {  	_ =	shalt  }
0x4e: {  	_ =	shalt  }
0x4f: {  	_ =	shalt  }
0x50: {  	_ =	shalt  }
0x51: {  	_ =	shalt  }
0x52: {  	_ =	shalt  }
0x53: {  	_ =	shalt  }
0x54: {  	_ =	shalt  }
0x55: {  	_ =	shalt  }
0x56: {  	_ =	shalt  }
0x57: {  	_ =	shalt  }
0x58: {  	_ =	shalt  }
0x59: {  	_ =	shalt  }
0x5a: {  	_ =	shalt  }
0x5b: {  	_ =	shalt  }
0x5c: {  	_ =	shalt  }
0x5d: {  	_ =	shalt  }
0x5e: {  	_ =	shalt  }
0x5f: {  	_ =	shalt  }
0x60: {  	_ =	shalt  }
0x61: {  	_ =	shalt  }
0x62: {  	_ =	shalt  }
0x63: {  	_ =	shalt  }
0x64: {  	_ =	shalt  }
0x65: {  	_ =	shalt  }
0x66: {  	_ =	shalt  }
0x67: {  	_ =	shalt  }
0x68: {  	_ =	shalt  }
0x69: {  	_ =	shalt  }
0x6a: {  	_ =	shalt  }
0x6b: {  	_ =	shalt  }
0x6c: {  	_ =	shalt  }
0x6d: {  	_ =	shalt  }
0x6e: {  	_ =	shalt  }
0x6f: {  	_ =	shalt  }
0x70: {  	_ =	shalt  }
0x71: {  	_ =	shalt  }
0x72: {  	_ =	shalt  }
0x73: {  	_ =	shalt  }
0x74: {  	_ =	shalt  }
0x75: {  	_ =	shalt  }
0x76: {  	_ =	shalt  }
0x77: {  	_ =	shalt  }
0x78: {  	_ =	shalt  }
0x79: {  	_ =	shalt  }
0x7a: {  	_ =	shalt  }
0x7b: {  	_ =	shalt  }
0x7c: {  	_ =	shalt  }
0x7d: {  	_ =	shalt  }
0x7e: {  	_ =	shalt  }
0x7f: {  	_ =	shalt  }
0x80: {  	_ =	shalt  }
0x81: {  	_ =	shalt  }
0x82: {  	_ =	shalt  }
0x83: {  	_ =	shalt  }
0x84: {  	_ =	shalt  }
0x85: {  	_ =	shalt  }
0x86: {  	_ =	shalt  }
0x87: {  	_ =	shalt  }
.Lfunc_end0:
.L_simem_size_0:
called_computation.2_lowered:
.L_overlay_start_0:
0x88: {  	s2 =	sld [smem:$0x3FD9]  }
0x89: {  	s3 =	sld [smem:$0x3FFE];
	_ =	sdelay $0x1  }
0x8a: {  	s1 =	srdreg.scid  }
0x8b: {  	s0 =	sand.u32 $0x1, s1  }
0x8c: {  	s17 =	sshll.u32 s0, $0xA;
	s2 =	sadd.s32 s3, s2  }
0x8d: {  	s2 =	sadd.s32 s2, s17  }
0x8e: {  	[smem:$0x3FC0] =	sst s2  }
0x8f: {  	_ = 	snop  }
0x90: {  	s2 =	sld [smem:$0x3FD0];
	(tm) =	ssettm $0x1  }
0x91: {  	s18 =	sld [smem:$0x3FFB];
	_ =	sdelay $0x3  }
0x92: {  	_ =	strace s18  }
0x93: {  	s3 =	sld [smem:$0x3FFC];
	_ =	sdelay $0x3  }
0x94: {  	_ =	strace s3  }
0x95: {  	s3 =	sld [smem:$0x3FFD];
	_ =	sdelay $0x3  }
0x96: {  	_ =	strace s3  }
0x97: {  	_ =	strace $0x8FFFFFFF  }
0x98: {  	s19 =	sld [smem:$0x3FDB];
	_ =	sdelay $0x1  }
0x99: {  	s4 =	simm.s32 $_scs_section_size  }
0x9a: {  	s5 =	simm.s32 $_size__tile_overlayer_lowered;
	s6 =	simm.s32 $_tile_overlayer_lowered  }
0x9b: {  	s22 =	simm.s32 $0x1BFF;
	s21 =	sshll.u32 s6, $0x1;
	s3 =	sadd.s32 s4, s19  }
0x9c: {  	s7 =	simm.s32 $0x0;
	s20 =	sshll.u32 s5, $0x1;
	s5 =	sadd.s32 s21, s3  }
0x9d: {  	[timem:s7], [sflag:s22] =	dma.local [hbm:s5], s20  }
0x9e: {  	_ =	swait.ge [sflag:s22], s20  }
0x9f: {  	s4 =	ssub.s32 $0x0, s20;
	[sflag:s22] =	ssyncset.done $0x0  }
0xa0: {  	[sflag:s22] =	ssyncadd.s32 s4;
	_ =	sdelay $0x1  }
0xa1: {  	s23 =	simm.s32 $0x1B8B  }
0xa2: {  	_ =	swait.ge [sflag:s23], $0x1  }
0xa3: {  	[sflag:s23] =	ssyncset.done $0x0  }
0xa4: {  	s25 =	simm.s32 $0x1B8E;
	s24 =	sld [smem:$0x3FFE];
	[sflag:s23] =	ssyncadd.s32 $0xFFFFFFFF  }
0xa5: {  	s26 =	simm.s32 $execute0_lowered;
	[smem:$0x3FD2] =	sst s25  }
0xa6: {  	s5 =	sshll.u32 s26, $0x1;
	_ =	strace $0x8000004C;
	[dreg:$0x1] =	wrdreg $0xFFFFFFFF  }
0xa7: {  	s28 =	simm.s32 $_size_execute0_lowered;
	s3 =	sadd.s32 s3, s5;
	[dreg:$0x0] =	wrdreg $0x0  }
0xa8: {  	s5 =	sshll.u32 s28, $0x1;
	[dreg:$0x2] =	wrdreg s3  }
0xa9: {  	[dreg:$0x3] =	wrdreg s5  }
0xaa: {  	[dreg:$0x4] =	wrdreg $0xC0  }
0xab: {  	_ =	task [dreg:s7], $0x5FFFF  }
0xac: {  	[dreg:$0x1] =	wrdreg $0xFFFFFFFF  }
0xad: {  	[dreg:$0x0] =	wrdreg $0x60  }
0xae: {  	[dreg:$0x2] =	wrdreg s24  }
0xaf: {  	[dreg:$0x3] =	wrdreg s2  }
0xb0: {  	[dreg:$0x4] =	wrdreg $0x82000  }
0xb1: {  	[dreg:$0x5] =	wrdreg $0x9  }
0xb2: {  	_ =	task.clear_ibuf [dreg:s7], $0x6FFFF;
	_ =	strace $0x9000004C  }
0xb3: {  	s29 =	simm.s32 $0x9;
	_ =	strace $0x8000004E  }
0xb4: {  	_ =	swait.ge [sflag:s29], $0x1  }
0xb5: {  	[sflag:s29] =	ssyncadd.s32 $0xFFFFFFFF  }
0xb6: {  	_ =	strace $0x9000004E  }
0xb7: {  	_ =	sfence  }
0xb8: {  	s30 =	sld [smem:$0x0];
	_ =	sdelay $0x2  }
0xb9: {  	s31 =	sshll.u32 s1, $0xD;
	s1 =	sshrl.u32 s1, $0x2  }
0xba: {  	s3 =	sand.u32 $0x4000, s31;
	s1 =	sadd.s32 s1, s30  }
0xbb: {  	s0 =	sor.u32 s3, s0;
	s1 =	sshll.u32 s1, $0x11  }
0xbc: {  	s0 =	sor.u32 s1, s0  }
0xbd: {  	s0 =	sadd.s32 $0x8F2B, s0  }
0xbe: {  	[sflag:s0] =	ssyncadd.remote.s32 $0x1  }
0xbf: {  	_ =	sfence.sel $0xFFFF  }
0xc0: {  	[dreg:$0x0] =	wrdreg $0xFFFFFFFF;
	(pc) =	sbr.abs _section_cstart, $3  }
0xc1: {  	[dreg:$0x1] =	wrdreg $0xFFFFFFFF  }
0xc2: {  	_ =	task.clear_ibuf [dreg:s7], $0x2FFFF;
	_ =	strace $0x9FFFFFFF  }
0xc3: {  	(tm) =	ssettm $0x7FFFFFFF  }
tec
execute0_lowered:
.L_overlay_start_1:
0x0: {  	(tag) =	ssettag $0x1  }
0x1: {  	s5 =	rddreg [dreg:$0x0]  }
0x2: {  	s9 =	rddreg [dreg:$0x1]  }
0x3: {  	s2 =	rddreg [dreg:$0x2]  }
0x4: {  	s0 =	rddreg [dreg:$0x3]  }
0x5: {  	s1 =	stileid.u32;
	s4 =	srdreg.scid;
	s3 =	simm.s32 $0x0  }
0x6: {  	s15 =	simm.s32 $0x80;
	s16 =	simm.s32 $0x200;
	s17 =	simm.s32 $0x100  }
0x7: {  	s18 =	simm.s32 $0x4200;
	s19 =	simm.s32 $0x1;
	s20 =	simm.s32 $0x2  }
0x8: {  	s21 =	simm.s32 $0x180;
	s22 =	simm.s32 $0x3;
	s6 =	smul.u32 $0x14000, s1  }
0x9: {  	s23 =	simm.s32 $0x4;
	s24 =	simm.s32 $0x0;
	s11 =	smul.u32 $0x1C, s1  }
0xa: {  	s7 =	sand.u32 $0x1, s4;
	[smem:$0x7FF] =	sst s3;
	s29 =	smul.u32 $0x50000, s1  }
0xb: {  	s4 =	sadd.s32 $0x2200, s5;
	s30 =	sshll.u32 s1, $0x6;
	s8 =	smul.u32 $0x140000, s7  }
0xc: {  	_ =	strace $0x8000004D;
	s26 =	ssub.s32 $0x2, s7;
	p0 =	seq.s32 s7, $0x0  }
0xd: {  	s7 =	smul.u32 $0x84, s1;
	s10 =	sshrl.u32 s6, $0x3;
	s28 =	sshrl.u32 s26, $0x1  }
0xe: {  	s10 =	sadd.s32 s10, s5;
	s6 =	sadd.s32 s6, s8;
	s8 =	sadd.s32 $0x840, s11  }
0xf: {  	s13 =	ssub.s32 s26, s28;
	s6 =	sshrl.u32 s6, $0x3;
	s8 =	smov.u32 @p0 s7  }
0x10: {  	s7 =	sor.u32 $0x1C05, s30;
	s12 =	sadd.s32 s6, s5;
	s5 =	simm.s32 $0x41  }
0x11: {  	s6 =	sshrl.u32 s29, $0x2;
	s31 =	sshll.u32 s8, $0x5;
	s5 =	simm.s32 @!p0 $0xD  }
0x12: {  	s14 =	sadd.s32 s6, s2;
	s6 =	sadd.s32 $0x2A200, s10;
	s9 =	sadd.s32 s9, s31  }
0x13: {  	s8 =	sadd.s32 $0x52200, s12;
	s10 =	smax.u32 s13, $0x1;
	s11 =	sadd.s32 $0x20, s9  }
0x14: {  	s12 =	sadd.s32 $0x40, s9;
	s13 =	sshrl.u32 s14, $0x3;
	s14 =	simm.s32 $0x5  }
.LBB2_1:
0x15: {  	[spmem:s13], [sflag:s7] =	dma.local [hbm:s6], $0x2800  }
0x16: {  	_ =	swait.ge [sflag:s14], $0x2800  }
0x17: {  	[sflag:s14] =	ssyncset.done $0x0  }
0x18: {  	[sflag:s14] =	ssyncadd.s32 $0xFFFFD800  }
0x19: {  	[bflag:$0x0] =	sbarrier.arrive $0xFFFF  }
0x1a: {  	[tilespmem:s3], [sflag:$0x5] =	stream.linear.gather [hbm4b:s9+s3], $0x100, $0x38;
	[tilespmem:$0x1C200] =	vst v63  }
0x1b: {  	_ =	swait.ge [sflag:s14], $0x100  }
0x1c: {  	[sflag:s14] =	ssyncset.done $0x0  }
0x1d: {  	[sflag:s14] =	ssyncadd.s32 $0xFFFFFF00  }
0x1e: {  	[tilespmem:s16], [sflag:$0x1] =	stream.indirect.gather [hbm4b:s4+s15], $0x80, s3, s15, $0xb8;
	[tilespmem:$0x1C200] =	vst v63  }
0x1f: {  	_ = 	snop  }
0x20: {  	[tilespmem:s17], [sflag:$0x5] =	stream.linear.gather [hbm4b:s11+s3], $0x100, $0x38;
	[tilespmem:$0x1C200] =	vst v63  }
0x21: {  	_ =	swait.ge [sflag:s14], $0x100  }
0x22: {  	[sflag:s14] =	ssyncset.done $0x0  }
0x23: {  	[sflag:s14] =	ssyncadd.s32 $0xFFFFFF00  }
0x24: {  	[tilespmem:s18], [sflag:$0x2] =	stream.indirect.gather [hbm4b:s4+s15], $0x80, s17, s15, $0xb8;
	[tilespmem:$0x1C200] =	vst v63  }
0x25: {  	_ =	swait.ge [sflag:s19], $0x4000  }
0x26: {  	[sflag:s19] =	ssyncset.done $0x0  }
0x27: {  	[sflag:s19] =	ssyncadd.s32 $0xFFFFC000  }
0x28: {  	[spmem:s2] =	stream.indirect.scatter.add.f32 [tilespmem:s16], [sflag:$0x3], $0x80, s15, s15, $0xb8;
	[tilespmem:$0x1C200] =	vst v63  }
0x29: {  	_ =	swait.ge [sflag:s20], $0x4000  }
0x2a: {  	[sflag:s20] =	ssyncset.done $0x0  }
0x2b: {  	[sflag:s20] =	ssyncadd.s32 $0xFFFFC000  }
0x2c: {  	[spmem:s2] =	stream.indirect.scatter.add.f32 [tilespmem:s18], [sflag:$0x4], $0x80, s21, s15, $0xb8;
	[tilespmem:$0x1C200] =	vst v63  }
0x2d: {  	_ =	swait.ge [sflag:s22], $0x4000  }
0x2e: {  	[sflag:s22] =	ssyncset.done $0x0  }
0x2f: {  	[sflag:s22] =	ssyncadd.s32 $0xFFFFC000  }
0x30: {  	_ =	swait.ge [sflag:s23], $0x4000  }
0x31: {  	[sflag:s23] =	ssyncset.done $0x0  }
0x32: {  	[sflag:s23] =	ssyncadd.s32 $0xFFFFC000  }
0x33: {  	[tilespmem:s3], [sflag:$0x5] =	stream.linear.gather [hbm4b:s12+s3], $0x100, $0x38;
	[tilespmem:$0x1C200] =	vst v63  }
0x34: {  	_ =	swait.ge [sflag:s14], $0x100  }
0x35: {  	[sflag:s14] =	ssyncset.done $0x0  }
0x36: {  	[sflag:s14] =	ssyncadd.s32 $0xFFFFFF00  }
0x37: {  	[tilespmem:s16], [sflag:$0x1] =	stream.indirect.gather [hbm4b:s4+s15], $0x80, s3, s15, $0xb8;
	[tilespmem:$0x1C200] =	vst v63  }
0x38: {  	s25 =	sadd.s32 $0x20, s12  }
0x39: {  	[tilespmem:s17], [sflag:$0x5] =	stream.linear.gather [hbm4b:s25+s3], $0x100, $0x38;
	[tilespmem:$0x1C200] =	vst v63  }
0x3a: {  	_ =	swait.ge [sflag:s14], $0x100  }
0x3b: {  	[sflag:s14] =	ssyncset.done $0x0  }
0x3c: {  	[sflag:s14] =	ssyncadd.s32 $0xFFFFFF00  }
0x3d: {  	[tilespmem:s18], [sflag:$0x2] =	stream.indirect.gather [hbm4b:s4+s15], $0x80, s17, s15, $0xb8;
	[tilespmem:$0x1C200] =	vst v63  }
0x3e: {  	_ =	swait.ge [sflag:s19], $0x4000  }
0x3f: {  	p0 =	sne.s32 s5, $0x1;
	[sflag:s19] =	ssyncset.done $0x0  }
.Ltmp0:
0x40: {  	[sflag:s19] =	ssyncadd.s32 $0xFFFFC000;
	(pc) =	sbr.rel @!p0 .LBB2_3-.Ltmp0, $4  }
0x41: {  	[spmem:s2] =	stream.indirect.scatter.add.f32 [tilespmem:s16], [sflag:$0x3], $0x80, s15, s15, $0xb8;
	[tilespmem:$0x1C200] =	vst v63  }
0x42: {  	_ =	swait.ge [sflag:s20], $0x4000  }
0x43: {  	[sflag:s20] =	ssyncset.done $0x0  }
0x44: {  	s26 =	sadd.s32 $0x40, s12;
	s25 =	sadd.s32 $0xFFFFFFFF, s5;
	[sflag:s20] =	ssyncadd.s32 $0xFFFFC000  }
.LBB2_2:
0x45: {  	[spmem:s2] =	stream.indirect.scatter.add.f32 [tilespmem:s18], [sflag:$0x4], $0x80, s21, s15, $0xb8;
	[tilespmem:$0x1C200] =	vst v63  }
0x46: {  	p0 =	sne.s32 s25, $0x1;
	s25 =	sadd.s32 $0xFFFFFFFF, s25;
	_ =	swait.ge [sflag:s22], $0x4000  }
0x47: {  	[sflag:s22] =	ssyncset.done $0x0  }
0x48: {  	[sflag:s22] =	ssyncadd.s32 $0xFFFFC000  }
0x49: {  	_ =	swait.ge [sflag:s23], $0x4000  }
0x4a: {  	[sflag:s23] =	ssyncset.done $0x0  }
0x4b: {  	[sflag:s23] =	ssyncadd.s32 $0xFFFFC000  }
0x4c: {  	[tilespmem:s3], [sflag:$0x5] =	stream.linear.gather [hbm4b:s26+s3], $0x100, $0x38;
	[tilespmem:$0x1C200] =	vst v63  }
0x4d: {  	_ =	swait.ge [sflag:s14], $0x100  }
0x4e: {  	[sflag:s14] =	ssyncset.done $0x0  }
0x4f: {  	[sflag:s14] =	ssyncadd.s32 $0xFFFFFF00  }
0x50: {  	[tilespmem:s16], [sflag:$0x1] =	stream.indirect.gather [hbm4b:s4+s15], $0x80, s3, s15, $0xb8;
	[tilespmem:$0x1C200] =	vst v63  }
0x51: {  	s28 =	sadd.s32 $0x20, s26  }
0x52: {  	[tilespmem:s17], [sflag:$0x5] =	stream.linear.gather [hbm4b:s28+s3], $0x100, $0x38;
	[tilespmem:$0x1C200] =	vst v63  }
0x53: {  	_ =	swait.ge [sflag:s14], $0x100  }
0x54: {  	[sflag:s14] =	ssyncset.done $0x0  }
0x55: {  	[sflag:s14] =	ssyncadd.s32 $0xFFFFFF00  }
0x56: {  	[tilespmem:s18], [sflag:$0x2] =	stream.indirect.gather [hbm4b:s4+s15], $0x80, s17, s15, $0xb8;
	[tilespmem:$0x1C200] =	vst v63  }
0x57: {  	_ =	swait.ge [sflag:s19], $0x4000  }
0x58: {  	[sflag:s19] =	ssyncset.done $0x0  }
.Ltmp1:
0x59: {  	[sflag:s19] =	ssyncadd.s32 $0xFFFFC000;
	(pc) =	sbr.rel @p0 .LBB2_2-.Ltmp1, $4  }
0x5a: {  	[spmem:s2] =	stream.indirect.scatter.add.f32 [tilespmem:s16], [sflag:$0x3], $0x80, s15, s15, $0xb8;
	[tilespmem:$0x1C200] =	vst v63  }
0x5b: {  	_ =	swait.ge [sflag:s20], $0x4000  }
0x5c: {  	[sflag:s20] =	ssyncset.done $0x0  }
0x5d: {  	s26 =	sadd.s32 $0x40, s26;
	[sflag:s20] =	ssyncadd.s32 $0xFFFFC000  }
.LBB2_3:
0x5e: {  	[spmem:s2] =	stream.indirect.scatter.add.f32 [tilespmem:s18], [sflag:$0x4], $0x80, s21, s15, $0xb8;
	[tilespmem:$0x1C200] =	vst v63  }
0x5f: {  	_ =	swait.ge [sflag:s22], $0x4000  }
0x60: {  	[sflag:s22] =	ssyncset.done $0x0  }
0x61: {  	[sflag:s22] =	ssyncadd.s32 $0xFFFFC000  }
0x62: {  	_ =	swait.ge [sflag:s23], $0x4000  }
0x63: {  	s24 =	sadd.s32 $0x1, s24;
	[sflag:s23] =	ssyncset.done $0x0  }
0x64: {  	p0 =	sne.s32 s24, s10;
	[sflag:s23] =	ssyncadd.s32 $0xFFFFC000  }
.Ltmp2:
0x65: {  	[bflag:$0x0] =	sbarrier.arrive $0xFFFF;
	(pc) =	sbr.rel @p0 .LBB2_1-.Ltmp2, $4  }
0x66: {  	[hbm:s8], [sflag:s7] =	dma.local [spmem:s13], $0x2800  }
0x67: {  	_ =	swait.ge [sflag:s14], $0x2800  }
0x68: {  	[sflag:s14] =	ssyncset.done $0x0  }
0x69: {  	[sflag:s14] =	ssyncadd.s32 $0xFFFFD800  }
0x6a: {  	_ =	sfence.sel $0x180000  }
0x6b: {  	[bflag:$0x0] =	sbarrier.arrive $0xFFFF  }
0x6c: {  	p0 =	sne.s32 s1, $0x0;
	_ =	strace $0x9000004D  }
0x6d: {  	s0 =	sadd.s32 @!p0 $0x100000, s0;
	[bflag:$0x2] =	sbarrier.arrive $0xFFFF  }
0x6e: {  	[sflag:s0] =	ssyncadd.tile.s32 @!p0 $0x1;
	_ =	shalt  }
.Lfunc_end2:
_tile_overlayer_lowered:
.L_overlay_start_2:
0x6f: {  	(tag) =	ssettag $0x2  }
0x70: {  	s0 =	rddreg [dreg:$0x0];
	s2 =	stileid.u32  }
0x71: {  	s1 =	rddreg [dreg:$0x1];
	p0 =	sne.s32 s2, $0x0  }
0x72: {  	s3 =	rddreg [dreg:$0x2];
	[bflag:$0x3] =	sbarrier.arrive $0xFFFF;
	s2 =	simm.s32 @!p0 $0x1C05  }
0x73: {  	[timem:s3], [sflag:s2] =	dma.local @!p0 [hbm:s0], s1  }
0x74: {  	s0 =	simm.s32 @!p0 $0x5  }
0x75: {  	_ =	swait.ge @!p0 [sflag:s0], s1  }
0x76: {  	s1 =	ssub.s32 @!p0 $0x0, s1;
	[sflag:s0] =	ssyncset.done @!p0 $0x0  }
0x77: {  	[sflag:s0] =	ssyncadd.s32 @!p0 s1  }
0x78: {  	[bflag:$0x3] =	sbarrier.arrive $0xFFFF  }
0x79: {  	_ =	shalt  }

// kernel: kernel.8.cloned.1.call-start
scs
__scs_entry_jumppad:
0x0: {  	(pc) =	sbr.rel $0x88, $3  }
0x1: {  	(tag) =	ssettag $0x0;
	lr =	simm.s32 $0x1  }
0x2: {  	[smem:$0x3F99] =	sst lr;
	_ =	strace $0xD0000000  }
0x3: {  	_ = 	snop  }
0x4: {  	_ = 	snop  }
0x5: {  	_ = 	snop  }
0x6: {  	_ = 	snop  }
0x7: {  	_ = 	snop  }
__scs_overlays_trampoline_lowered:
0x8: {  	[smem:$0x3FA8] =	sst s0  }
0x9: {  	[smem:$0x3FA9] =	sst s1  }
0xa: {  	[smem:$0x3FAA] =	sst s2  }
0xb: {  	[smem:$0x3FAB] =	sst s3  }
0xc: {  	[smem:$0x3FAC] =	sst s4  }
0xd: {  	[smem:$0x3FAD] =	sst s5  }
0xe: {  	[smem:$0x3FAE] =	sst s6  }
0xf: {  	[smem:$0x3FAF] =	sst s7  }
0x10: {  	[smem:$0x3FB0] =	sst s8  }
0x11: {  	[smem:$0x3FB1] =	sst s9;
	s0 =	simm.s32 @!p0 $0x0  }
0x12: {  	s1 =	sld [smem:$0x3F97];
	s0 =	simm.s32 @p0 $0x1  }
0x13: {  	[smem:$0x3FB2] =	sst s0;
	s0 =	simm.s32 @!p1 $0x0  }
0x14: {  	s2 =	sld [smem:$0x3F96];
	s0 =	simm.s32 @p1 $0x1  }
0x15: {  	[smem:$0x3FB3] =	sst s0;
	s0 =	simm.s32 @!p2 $0x0  }
0x16: {  	s3 =	sld [smem:$0x3FDB];
	s0 =	simm.s32 @p2 $0x1  }
0x17: {  	s4 =	simm.s32 $0x1BF5;
	[smem:$0x3FB5] =	sst s0  }
0x18: {  	s0 =	sld [smem:$0x3F98];
	_ =	swait.ge [sflag:s4], $0x0  }
0x19: {  	s7 =	sld [smem:$0x3F99]  }
0x1a: {  	s8 =	sadd.s32 $0xFFFFE003, lr  }
0x1b: {  	s9 =	sadd.s32 $0xFFFFFEF7, lr;
	s5 =	simm.s32 $0xFFFFFFFF;
	p2 =	slt.u32 s8, $0xFFFFF086  }
0x1c: {  	p1 =	slt.u32 s9, $0xF7A;
	s5 =	simm.s32 @!p2 $0x0  }
0x1d: {  	s5 =	simm.s32 @p1 $0x1;
	p0 =	seq.s32 s7, s2  }
0x1e: {  	s7 =	smul.u32 @!p0 $0xF7A, s2;
	p2 =	seq.s32 @!p0 s5, $0x0  }
0x1f: {  	s9 =	smul.u32 $0xF7A, s1;
	s8 =	simm.s32 @!p0 $0x1BF5;
	p2 =	por !p2, p0  }
0x20: {  	[sflag:s8] =	ssyncset.s32 @!p0 $0xFFFFF086;
	s6 =	sadd.s32 @!p0 s3, s7;
	s7 =	simm.s32 @!p0 $0x108  }
0x21: {  	s3 =	sadd.s32 s3, s9;
	s6 =	sadd.s32 @!p0 $0x88, s6;
	s7 =	simm.s32 @p2 $0x1082  }
0x22: {  	[simem:s7], [sflag:s8] =	dma.local @!p0 [hbm:s6], $0xF7A  }
0x23: {  	s9 =	sor.u32 $0xD0000000, s2;
	s6 =	simm.s32 $0x108;
	_ =	swait.ge @!p0 [sflag:s8], $0x0  }
0x24: {  	s3 =	sadd.s32 $0x88, s3;
	s6 =	simm.s32 @!p1 $0x1082;
	[sflag:s4] =	ssyncset.s32 $0xFFFFF086  }
0x25: {  	[simem:s6], [sflag:s4] =	dma.local [hbm:s3], $0xF7A  }
0x26: {  	[smem:$0x3F99] =	sst s1;
	(tag) =	ssettag s2;
	_ =	strace s9  }
0x27: {  	s1 =	sld [smem:$0x3FA9]  }
0x28: {  	s2 =	sld [smem:$0x3FAA]  }
0x29: {  	s4 =	sld [smem:$0x3FAC]  }
0x2a: {  	p0 =	seq.s32 s5, $0x0;
	s5 =	sld [smem:$0x3FAD]  }
0x2b: {  	s6 =	sld [smem:$0x3FAE]  }
0x2c: {  	s7 =	sld [smem:$0x3FAF]  }
0x2d: {  	s3 =	simm.s32 $0x108;
	s8 =	sld [smem:$0x3FB0]  }
0x2e: {  	s3 =	simm.s32 @!p0 $0x1082;
	s9 =	sld [smem:$0x3FB1]  }
0x2f: {  	lr =	sadd.s32 s0, s3;
	s0 =	sld [smem:$0x3FA8]  }
0x30: {  	s3 =	sld [smem:$0x3FAB]  }
0x31: {  	[smem:$0x3FB4] =	sst s10  }
0x32: {  	s10 =	sld [smem:$0x3FB2];
	_ =	sdelay $0x3  }
0x33: {  	p0 =	seq.s32 s10, $0x1;
	s10 =	sld [smem:$0x3FB4];
	_ =	sdelay $0x3  }
0x34: {  	[smem:$0x3FB4] =	sst s10  }
0x35: {  	s10 =	sld [smem:$0x3FB3];
	_ =	sdelay $0x3  }
0x36: {  	p1 =	seq.s32 s10, $0x1;
	s10 =	sld [smem:$0x3FB4];
	_ =	sdelay $0x3  }
0x37: {  	[smem:$0x3FB4] =	sst s10  }
0x38: {  	s10 =	sld [smem:$0x3FB5]  }
0x39: {  	_ = 	snop;
	(pc) =	sbr.ind lr, $3  }
0x3a: {  	_ = 	snop  }
0x3b: {  	_ = 	snop  }
0x3c: {  	p2 =	seq.s32 s10, $0x1;
	s10 =	sld [smem:$0x3FB4]  }
0x3d: {  	_ =	shalt  }
0x3e: {  	_ =	shalt  }
0x3f: {  	_ =	shalt  }
0x40: {  	_ =	shalt  }
0x41: {  	_ =	shalt  }
0x42: {  	_ =	shalt  }
0x43: {  	_ =	shalt  }
0x44: {  	_ =	shalt  }
0x45: {  	_ =	shalt  }
0x46: {  	_ =	shalt  }
0x47: {  	_ =	shalt  }
0x48: {  	_ =	shalt  }
0x49: {  	_ =	shalt  }
0x4a: {  	_ =	shalt  }
0x4b: {  	_ =	shalt  }
0x4c: {  	_ =	shalt  }
0x4d: {  	_ =	shalt  }
0x4e: {  	_ =	shalt  }
0x4f: {  	_ =	shalt  }
0x50: {  	_ =	shalt  }
0x51: {  	_ =	shalt  }
0x52: {  	_ =	shalt  }
0x53: {  	_ =	shalt  }
0x54: {  	_ =	shalt  }
0x55: {  	_ =	shalt  }
0x56: {  	_ =	shalt  }
0x57: {  	_ =	shalt  }
0x58: {  	_ =	shalt  }
0x59: {  	_ =	shalt  }
0x5a: {  	_ =	shalt  }
0x5b: {  	_ =	shalt  }
0x5c: {  	_ =	shalt  }
0x5d: {  	_ =	shalt  }
0x5e: {  	_ =	shalt  }
0x5f: {  	_ =	shalt  }
0x60: {  	_ =	shalt  }
0x61: {  	_ =	shalt  }
0x62: {  	_ =	shalt  }
0x63: {  	_ =	shalt  }
0x64: {  	_ =	shalt  }
0x65: {  	_ =	shalt  }
0x66: {  	_ =	shalt  }
0x67: {  	_ =	shalt  }
0x68: {  	_ =	shalt  }
0x69: {  	_ =	shalt  }
0x6a: {  	_ =	shalt  }
0x6b: {  	_ =	shalt  }
0x6c: {  	_ =	shalt  }
0x6d: {  	_ =	shalt  }
0x6e: {  	_ =	shalt  }
0x6f: {  	_ =	shalt  }
0x70: {  	_ =	shalt  }
0x71: {  	_ =	shalt  }
0x72: {  	_ =	shalt  }
0x73: {  	_ =	shalt  }
0x74: {  	_ =	shalt  }
0x75: {  	_ =	shalt  }
0x76: {  	_ =	shalt  }
0x77: {  	_ =	shalt  }
0x78: {  	_ =	shalt  }
0x79: {  	_ =	shalt  }
0x7a: {  	_ =	shalt  }
0x7b: {  	_ =	shalt  }
0x7c: {  	_ =	shalt  }
0x7d: {  	_ =	shalt  }
0x7e: {  	_ =	shalt  }
0x7f: {  	_ =	shalt  }
0x80: {  	_ =	shalt  }
0x81: {  	_ =	shalt  }
0x82: {  	_ =	shalt  }
0x83: {  	_ =	shalt  }
0x84: {  	_ =	shalt  }
0x85: {  	_ =	shalt  }
0x86: {  	_ =	shalt  }
0x87: {  	_ =	shalt  }
.Lfunc_end0:
.L_simem_size_0:
called_computation_lowered:
.L_overlay_start_0:
0x88: {  	s2 =	sld [smem:$0x3FD9]  }
0x89: {  	s3 =	sld [smem:$0x3FFE];
	_ =	sdelay $0x1  }
0x8a: {  	s1 =	srdreg.scid  }
0x8b: {  	s0 =	sand.u32 $0x1, s1  }
0x8c: {  	s17 =	sshll.u32 s0, $0xA;
	s2 =	sadd.s32 s3, s2  }
0x8d: {  	s2 =	sadd.s32 s2, s17  }
0x8e: {  	[smem:$0x3FC0] =	sst s2  }
0x8f: {  	_ = 	snop  }
0x90: {  	s18 =	sld [smem:$0x3FD0];
	(tm) =	ssettm $0x1  }
0x91: {  	s19 =	sld [smem:$0x3FFB];
	_ =	sdelay $0x3  }
0x92: {  	_ =	strace s19  }
0x93: {  	s2 =	sld [smem:$0x3FFC];
	_ =	sdelay $0x3  }
0x94: {  	_ =	strace s2  }
0x95: {  	s2 =	sld [smem:$0x3FFD];
	_ =	sdelay $0x3  }
0x96: {  	_ =	strace s2  }
0x97: {  	_ =	strace $0x8FFFFFFF  }
0x98: {  	s20 =	sld [smem:$0x3FDB];
	_ =	sdelay $0x1  }
0x99: {  	s4 =	simm.s32 $_scs_section_size  }
0x9a: {  	s5 =	simm.s32 $_size__tile_overlayer_lowered;
	s6 =	simm.s32 $_tile_overlayer_lowered  }
0x9b: {  	s7 =	simm.s32 $0x1BFF;
	s21 =	sshll.u32 s6, $0x1;
	s4 =	sadd.s32 s4, s20  }
0x9c: {  	s22 =	simm.s32 $0x0;
	s5 =	sshll.u32 s5, $0x1;
	s6 =	sadd.s32 s21, s4  }
0x9d: {  	[timem:s22], [sflag:s7] =	dma.local [hbm:s6], s5  }
0x9e: {  	_ =	swait.ge [sflag:s7], s5  }
0x9f: {  	s5 =	ssub.s32 $0x0, s5;
	[sflag:s7] =	ssyncset.done $0x0  }
0xa0: {  	[sflag:s7] =	ssyncadd.s32 s5;
	_ =	sdelay $0x1  }
0xa1: {  	s23 =	simm.s32 $0x1B8B  }
0xa2: {  	_ =	swait.ge [sflag:s23], $0x1  }
0xa3: {  	[sflag:s23] =	ssyncset.done $0x0  }
0xa4: {  	[sflag:s23] =	ssyncadd.s32 $0xFFFFFFFF  }
0xa5: {  	s5 =	sld [smem:$0x0]  }
0xa6: {  	s6 =	sand.u32 $0xFFFFFFFE, s1  }
0xa7: {  	p0 =	sne.s32 s1, s6  }
0xa8: {  	s6 =	sshll.u32 @p0 s6, $0xE  }
0xa9: {  	s6 =	sadd.s32 @p0 $0x11B8D, s6;
	s7 =	sshll.u32 @p0 s5, $0x11  }
0xaa: {  	s6 =	sor.u32 @p0 s7, s6  }
0xab: {  	[sflag:s6] =	ssyncadd.remote.s32 @p0 $0x1;
	_ =	sdelay $0x1  }
0xac: {  	s6 =	simm.s32 @p0 $0x1B8D  }
0xad: {  	_ =	swait.eq @p0 [sflag:s6], $0x1  }
0xae: {  	[sflag:s6] =	ssyncadd.s32 @p0 $0xFFFFFFFF  }
0xaf: {  	s7 =	sshll.u32 @!p0 s1, $0xE  }
0xb0: {  	s7 =	sor.u32 @!p0 $0x4000, s7;
	s6 =	simm.s32 @!p0 $0x1B8D  }
0xb1: {  	s5 =	sshll.u32 @!p0 s5, $0x11;
	s7 =	sadd.s32 @!p0 $0x11B8D, s7;
	_ =	swait.eq @!p0 [sflag:s6], $0x1  }
0xb2: {  	s5 =	sor.u32 @!p0 s5, s7;
	[sflag:s6] =	ssyncadd.s32 @!p0 $0xFFFFFFFF  }
0xb3: {  	s25 =	simm.s32 $0x1B8E;
	s24 =	sld [smem:$0x3FFE];
	[sflag:s5] =	ssyncadd.remote.s32 @!p0 $0x1  }
0xb4: {  	s26 =	simm.s32 $execute0_lowered;
	[smem:$0x3FD2] =	sst s25  }
0xb5: {  	s6 =	sshll.u32 s26, $0x1;
	_ =	strace $0x80000049;
	[dreg:$0x1] =	wrdreg $0xFFFFFFFF  }
0xb6: {  	s28 =	simm.s32 $_size_execute0_lowered;
	s4 =	sadd.s32 s4, s6;
	[dreg:$0x0] =	wrdreg $0x0  }
0xb7: {  	s6 =	sshll.u32 s28, $0x1;
	[dreg:$0x2] =	wrdreg s4  }
0xb8: {  	[dreg:$0x3] =	wrdreg s6  }
0xb9: {  	[dreg:$0x4] =	wrdreg $0xC0  }
0xba: {  	_ =	task [dreg:s22], $0x5FFFF  }
0xbb: {  	[dreg:$0x1] =	wrdreg $0xFFFFFFFF  }
0xbc: {  	[dreg:$0x0] =	wrdreg $0x60  }
0xbd: {  	[dreg:$0x2] =	wrdreg s18  }
0xbe: {  	[dreg:$0x3] =	wrdreg s24  }
0xbf: {  	[dreg:$0x4] =	wrdreg $0x42000  }
0xc0: {  	[dreg:$0x5] =	wrdreg $0x9  }
0xc1: {  	_ =	task.clear_ibuf [dreg:s22], $0x6FFFF;
	_ =	strace $0x90000049  }
0xc2: {  	s29 =	simm.s32 $0x9;
	_ =	strace $0x8000004B  }
0xc3: {  	_ =	swait.ge [sflag:s29], $0x1  }
0xc4: {  	[sflag:s29] =	ssyncadd.s32 $0xFFFFFFFF  }
0xc5: {  	_ =	strace $0x9000004B  }
0xc6: {  	_ =	sfence  }
0xc7: {  	s30 =	sld [smem:$0x0];
	_ =	sdelay $0x2  }
0xc8: {  	s31 =	sshll.u32 s1, $0xD;
	s1 =	sshrl.u32 s1, $0x2  }
0xc9: {  	s4 =	sand.u32 $0x4000, s31;
	s1 =	sadd.s32 s1, s30  }
0xca: {  	s0 =	sor.u32 s4, s0;
	s1 =	sshll.u32 s1, $0x11  }
0xcb: {  	s0 =	sor.u32 s1, s0  }
0xcc: {  	s0 =	sadd.s32 $0x8F2B, s0  }
0xcd: {  	[sflag:s0] =	ssyncadd.remote.s32 $0x1  }
0xce: {  	_ =	sfence.sel $0xFFFF  }
0xcf: {  	[dreg:$0x0] =	wrdreg $0xFFFFFFFF;
	(pc) =	sbr.abs _section_cstart, $3  }
0xd0: {  	[dreg:$0x1] =	wrdreg $0xFFFFFFFF  }
0xd1: {  	_ =	task.clear_ibuf [dreg:s22], $0x2FFFF;
	_ =	strace $0x9FFFFFFF  }
0xd2: {  	(tm) =	ssettm $0x7FFFFFFF  }
0xd3: {  	_ =	shalt  }
tec
execute0_lowered:
.L_overlay_start_1:
0x0: {  	(tag) =	ssettag $0x1  }
0x1: {  	s9 =	rddreg [dreg:$0x0]  }
0x2: {  	s5 =	rddreg [dreg:$0x1];
	s0 =	stileid.u32  }
0x3: {  	s1 =	srdreg.scid;
	s2 =	rddreg [dreg:$0x2]  }
0x4: {  	s3 =	simm.s32 $0x0;
	s15 =	simm.s32 $0x80;
	s16 =	simm.s32 $0x100  }
0x5: {  	s17 =	simm.s32 $0x180;
	s18 =	simm.s32 $0x1;
	s4 =	smul.u32 $0x14000, s0  }
0x6: {  	s19 =	simm.s32 $0x2;
	s20 =	simm.s32 $0x0;
	s12 =	smul.u32 $0x50000, s0  }
0x7: {  	s6 =	sand.u32 $0x1, s1;
	s1 =	rddreg [dreg:$0x3];
	s30 =	smul.u32 $0xA00, s0  }
0x8: {  	[smem:$0x7FF] =	sst s3;
	s13 =	sshll.u32 s0, $0x6;
	s7 =	smul.u32 $0x140000, s6  }
0x9: {  	_ =	strace $0x8000004A;
	s10 =	ssub.s32 $0x2, s6;
	s11 =	sshll.u32 s6, $0x4  }
0xa: {  	s14 =	smul.u32 $0xA000, s6;
	s6 =	sor.u32 $0x1C03, s13;
	s13 =	simm.s32 $0x3  }
0xb: {  	s8 =	sshrl.u32 s4, $0x3;
	s28 =	sshrl.u32 s10, $0x1;
	s11 =	sor.u32 s0, s11  }
0xc: {  	s29 =	sshrl.u32 s12, $0x2;
	s7 =	sadd.s32 s4, s7;
	s8 =	sadd.s32 s8, s5  }
0xd: {  	s4 =	sadd.s32 $0xA2200, s5;
	s10 =	ssub.s32 s10, s28;
	s11 =	smul.u32 $0xA00, s11  }
0xe: {  	s12 =	sadd.s32 s29, s2;
	s31 =	sadd.s32 s14, s9;
	s7 =	sshrl.u32 s7, $0x3  }
0xf: {  	s14 =	simm.s32 $0x200;
	s12 =	sshrl.u32 s12, $0x3;
	s7 =	sadd.s32 s7, s5  }
0x10: {  	s5 =	sadd.s32 $0x2A200, s8;
	s8 =	sadd.s32 s9, s11;
	s9 =	smax.u32 s10, $0x1  }
0x11: {  	s11 =	sadd.s32 s30, s31;
	s7 =	sadd.s32 $0xA2A00, s7;
	s10 =	sadd.s32 $0x20, s8  }
.LBB2_1:
0x12: {  	[spmem:s12], [sflag:s6] =	dma.local [hbm:s5], $0x2800  }
0x13: {  	_ =	swait.ge [sflag:s13], $0x2800  }
0x14: {  	[sflag:s13] =	ssyncset.done $0x0  }
0x15: {  	[sflag:s13] =	ssyncadd.s32 $0xFFFFD800  }
0x16: {  	[tilespmem:s14], [sflag:$0x3] =	stream.linear.gather [hbm4b:s4+s3], $0x4000, $0x38;
	[tilespmem:$0x18200] =	vst v63  }
0x17: {  	_ =	swait.ge [sflag:s13], $0x4000  }
0x18: {  	[sflag:s13] =	ssyncset.done $0x0  }
0x19: {  	[sflag:s13] =	ssyncadd.s32 $0xFFFFC000  }
0x1a: {  	[bflag:$0x0] =	sbarrier.arrive $0xFFFF  }
0x1b: {  	[tilespmem:s3], [sflag:$0x3] =	stream.linear.gather [hbm4b:s8+s3], $0x100, $0x38;
	[tilespmem:$0x18200] =	vst v63  }
0x1c: {  	_ =	swait.ge [sflag:s13], $0x100  }
0x1d: {  	[sflag:s13] =	ssyncset.done $0x0  }
0x1e: {  	[sflag:s13] =	ssyncadd.s32 $0xFFFFFF00  }
0x1f: {  	[spmem:s2] =	stream.indirect.scatter.add.f32 [tilespmem:s14], [sflag:$0x1], $0x80, s15, s15, $0xb8;
	[tilespmem:$0x18200] =	vst v63  }
0x20: {  	_ = 	snop  }
0x21: {  	[tilespmem:s16], [sflag:$0x3] =	stream.linear.gather [hbm4b:s10+s3], $0x100, $0x38;
	[tilespmem:$0x18200] =	vst v63  }
0x22: {  	_ =	swait.ge [sflag:s13], $0x100  }
0x23: {  	[sflag:s13] =	ssyncset.done $0x0  }
0x24: {  	[sflag:s13] =	ssyncadd.s32 $0xFFFFFF00  }
0x25: {  	[spmem:s2] =	stream.indirect.scatter.add.f32 [tilespmem:s14], [sflag:$0x2], $0x80, s17, s15, $0xb8;
	[tilespmem:$0x18200] =	vst v63  }
0x26: {  	_ =	swait.ge [sflag:s18], $0x4000  }
0x27: {  	[sflag:s18] =	ssyncset.done $0x0  }
0x28: {  	[sflag:s18] =	ssyncadd.s32 $0xFFFFC000  }
0x29: {  	_ =	swait.ge [sflag:s19], $0x4000  }
0x2a: {  	s21 =	sadd.s32 $0xFFFFF640, s11;
	[sflag:s19] =	ssyncset.done $0x0  }
0x2b: {  	s22 =	sadd.s32 $0xA00, s21;
	[sflag:s19] =	ssyncadd.s32 $0xFFFFC000  }
0x2c: {  	[tilespmem:s3], [sflag:$0x3] =	stream.linear.gather [hbm4b:s22+s3], $0x100, $0x38;
	[tilespmem:$0x18200] =	vst v63  }
0x2d: {  	_ =	swait.ge [sflag:s13], $0x100  }
0x2e: {  	[sflag:s13] =	ssyncset.done $0x0  }
0x2f: {  	[sflag:s13] =	ssyncadd.s32 $0xFFFFFF00  }
0x30: {  	[spmem:s2] =	stream.indirect.scatter.add.f32 [tilespmem:s14], [sflag:$0x1], $0x80, s15, s15, $0xb8;
	[tilespmem:$0x18200] =	vst v63  }
0x31: {  	s21 =	sadd.s32 $0xA20, s21  }
0x32: {  	[tilespmem:s16], [sflag:$0x3] =	stream.linear.gather [hbm4b:s21+s3], $0x100, $0x38;
	[tilespmem:$0x18200] =	vst v63  }
0x33: {  	_ =	swait.ge [sflag:s13], $0x100  }
0x34: {  	[sflag:s13] =	ssyncset.done $0x0  }
0x35: {  	s21 =	simm.s32 $0xFFFFF680;
	[sflag:s13] =	ssyncadd.s32 $0xFFFFFF00  }
.LBB2_2:
0x36: {  	[spmem:s2] =	stream.indirect.scatter.add.f32 [tilespmem:s14], [sflag:$0x2], $0x80, s17, s15, $0xb8;
	[tilespmem:$0x18200] =	vst v63  }
0x37: {  	s22 =	smov.u32 s21  }
0x38: {  	p0 =	sne.s32 s21, $0xFFFFFFC0;
	s21 =	sadd.s32 $0x40, s21;
	_ =	swait.ge [sflag:s18], $0x4000  }
0x39: {  	[sflag:s18] =	ssyncset.done $0x0  }
0x3a: {  	[sflag:s18] =	ssyncadd.s32 $0xFFFFC000  }
0x3b: {  	_ =	swait.ge [sflag:s19], $0x4000  }
0x3c: {  	s22 =	sadd.s32 s22, s11;
	[sflag:s19] =	ssyncset.done $0x0  }
0x3d: {  	s23 =	sadd.s32 $0xA00, s22;
	[sflag:s19] =	ssyncadd.s32 $0xFFFFC000  }
0x3e: {  	[tilespmem:s3], [sflag:$0x3] =	stream.linear.gather [hbm4b:s23+s3], $0x100, $0x38;
	[tilespmem:$0x18200] =	vst v63  }
0x3f: {  	_ =	swait.ge [sflag:s13], $0x100  }
0x40: {  	[sflag:s13] =	ssyncset.done $0x0  }
0x41: {  	[sflag:s13] =	ssyncadd.s32 $0xFFFFFF00  }
0x42: {  	[spmem:s2] =	stream.indirect.scatter.add.f32 [tilespmem:s14], [sflag:$0x1], $0x80, s15, s15, $0xb8;
	[tilespmem:$0x18200] =	vst v63  }
.Ltmp0:
0x43: {  	s22 =	sadd.s32 $0xA20, s22;
	(pc) =	sbr.rel @p0 .LBB2_2-.Ltmp0, $4  }
0x44: {  	[tilespmem:s16], [sflag:$0x3] =	stream.linear.gather [hbm4b:s22+s3], $0x100, $0x38;
	[tilespmem:$0x18200] =	vst v63  }
0x45: {  	_ =	swait.ge [sflag:s13], $0x100  }
0x46: {  	[sflag:s13] =	ssyncset.done $0x0  }
0x47: {  	[sflag:s13] =	ssyncadd.s32 $0xFFFFFF00  }
0x48: {  	[spmem:s2] =	stream.indirect.scatter.add.f32 [tilespmem:s14], [sflag:$0x2], $0x80, s17, s15, $0xb8;
	[tilespmem:$0x18200] =	vst v63  }
0x49: {  	_ =	swait.ge [sflag:s18], $0x4000  }
0x4a: {  	[sflag:s18] =	ssyncset.done $0x0  }
0x4b: {  	[sflag:s18] =	ssyncadd.s32 $0xFFFFC000  }
0x4c: {  	_ =	swait.ge [sflag:s19], $0x4000  }
0x4d: {  	s20 =	sadd.s32 $0x1, s20;
	[sflag:s19] =	ssyncset.done $0x0  }
0x4e: {  	p0 =	sne.s32 s20, s9;
	[sflag:s19] =	ssyncadd.s32 $0xFFFFC000  }
.Ltmp1:
0x4f: {  	[bflag:$0x0] =	sbarrier.arrive $0xFFFF;
	(pc) =	sbr.rel @p0 .LBB2_1-.Ltmp1, $4  }
0x50: {  	[hbm:s7], [sflag:s6] =	dma.local [spmem:s12], $0x2800  }
0x51: {  	_ =	swait.ge [sflag:s13], $0x2800  }
0x52: {  	[sflag:s13] =	ssyncset.done $0x0  }
0x53: {  	[sflag:s13] =	ssyncadd.s32 $0xFFFFD800  }
0x54: {  	_ =	sfence.sel $0x180000  }
0x55: {  	[bflag:$0x0] =	sbarrier.arrive $0xFFFF  }
0x56: {  	p0 =	sne.s32 s0, $0x0;
	_ =	strace $0x9000004A  }
0x57: {  	s0 =	sadd.s32 @!p0 $0x100000, s1;
	[bflag:$0x2] =	sbarrier.arrive $0xFFFF  }
0x58: {  	[sflag:s0] =	ssyncadd.tile.s32 @!p0 $0x1;
	_ =	shalt  }
.Lfunc_end2:
_tile_overlayer_lowered:
.L_overlay_start_2:
0x59: {  	(tag) =	ssettag $0x2  }
0x5a: {  	s0 =	rddreg [dreg:$0x0];
	s2 =	stileid.u32  }
0x5b: {  	s1 =	rddreg [dreg:$0x1];
	p0 =	sne.s32 s2, $0x0  }
0x5c: {  	s3 =	rddreg [dreg:$0x2];
	[bflag:$0x3] =	sbarrier.arrive $0xFFFF;
	s2 =	simm.s32 @!p0 $0x1C03  }
0x5d: {  	[timem:s3], [sflag:s2] =	dma.local @!p0 [hbm:s0], s1  }
0x5e: {  	s0 =	simm.s32 @!p0 $0x3  }
0x5f: {  	_ =	swait.ge @!p0 [sflag:s0], s1  }
0x60: {  	s1 =	ssub.s32 @!p0 $0x0, s1;
	[sflag:s0] =	ssyncset.done @!p0 $0x0  }
0x61: {  	[sflag:s0] =	ssyncadd.s32 @!p0 s1  }
0x62: {  	[bflag:$0x3] =	sbarrier.arrive $0xFFFF  }
0x63: {  	_ =	shalt  }

</sc_bundles>
